<compile_context>
chip_gen: v7x
topology: tpu7x:2x2x1
jax: 0.10.2.dev20260603
libtpu: 0.0.44.dev20260713+nightly
codegen_flags: <defaults>
</compile_context>

<pallas_src>
import functools

import jax
import jax.numpy as jnp
from jax import lax
from jax.experimental import pallas as pl
from jax.experimental.pallas import tpu as pltpu
from jax.experimental.pallas import tpu_sc as plsc

_HIDDEN = 128
_EPS = 1e-6
_NC = 2
_NS = 16
_NW = _NC * _NS
_LANES = 16
_HREG = _HIDDEN // _LANES
_CHUNK = 128
_NB = 3


def _rsqrt_newton(x):
    i = lax.bitcast_convert_type(x, jnp.int32)
    magic = jnp.full((_LANES,), 0x5F3759DF, dtype=jnp.int32)
    one = jnp.full((_LANES,), 1, dtype=jnp.int32)
    y = lax.bitcast_convert_type(magic - lax.shift_right_logical(i, one),
                                 jnp.float32)
    half_x = 0.5 * x
    for _ in range(3):
        y = y * (1.5 - half_x * y * y)
    return y


def _layernorm_chunk(rows_v, b, gam, bet):

    @plsc.parallel_loop(0, _CHUNK, unroll=2)
    def _row(r):
        xs = [rows_v[b, r, pl.ds(_LANES * h, _LANES)] for h in range(_HREG)]
        acc = xs[0]
        acc2 = xs[0] * xs[0]
        for h in range(1, _HREG):
            acc = acc + xs[h]
            acc2 = acc2 + xs[h] * xs[h]
        s1 = jnp.sum(acc)
        s2 = jnp.sum(acc2)
        mean = s1 * (1.0 / _HIDDEN)
        var = s2 * (1.0 / _HIDDEN) - mean * mean
        rstd = _rsqrt_newton(jnp.full((_LANES,), var + _EPS,
                                      dtype=jnp.float32))
        mean_v = jnp.full((_LANES,), mean, dtype=jnp.float32)
        for h in range(_HREG):
            a = rstd * gam[h]
            rows_v[b, r, pl.ds(_LANES * h, _LANES)] = \
                (xs[h] - mean_v) * a + bet[h]


def _make_kernel(n_tok):
    per_w = n_tok // _NW
    n_chunk = per_w // _CHUNK
    mesh = plsc.VectorSubcoreMesh(core_axis_name="c", subcore_axis_name="s")

    @functools.partial(
        pl.kernel,
        out_type=jax.ShapeDtypeStruct((n_tok, _HIDDEN), jnp.float32),
        mesh=mesh,
        compiler_params=pltpu.CompilerParams(needs_layout_passes=False),
        scratch_types=[
            pltpu.VMEM((n_chunk, _CHUNK), jnp.int32),
            pltpu.VMEM((_NB, _CHUNK, _HIDDEN), jnp.float32),
            pltpu.VMEM((_HIDDEN,), jnp.float32),
            pltpu.VMEM((_HIDDEN,), jnp.float32),
            pltpu.SemaphoreType.DMA((_NB,)),
            pltpu.SemaphoreType.DMA((_NB,)),
        ],
    )
    def k(ids_hbm, table_hbm, gamma_hbm, beta_hbm, out_hbm,
          idx_v, rows_v, gv, bv, semg, semo):
        c = lax.axis_index("c")
        s = lax.axis_index("s")
        wid = s * _NC + c
        pltpu.sync_copy(gamma_hbm, gv)
        pltpu.sync_copy(beta_hbm, bv)
        gam = [gv[pl.ds(_LANES * h, _LANES)] for h in range(_HREG)]
        bet = [bv[pl.ds(_LANES * h, _LANES)] for h in range(_HREG)]
        pltpu.sync_copy(ids_hbm.at[wid], idx_v)
        row0 = wid * per_w

        def out_slice(g):
            return out_hbm.at[pl.ds(row0 + g * _CHUNK, _CHUNK)]

        pltpu.async_copy(table_hbm.at[idx_v.at[0]], rows_v.at[0], semg.at[0])

        def chunk_body(g, carry):
            b = lax.rem(g, _NB)
            nb = lax.rem(g + 1, _NB)

            @pl.when(g >= _NB - 1)
            def _():
                pltpu.make_async_copy(rows_v.at[nb], out_slice(g - 2),
                                      semo.at[nb]).wait()

            @pl.when(g + 1 < n_chunk)
            def _():
                pltpu.async_copy(table_hbm.at[idx_v.at[g + 1]],
                                 rows_v.at[nb], semg.at[nb])

            pltpu.make_async_copy(table_hbm.at[idx_v.at[b]], rows_v.at[b],
                                  semg.at[b]).wait()
            _layernorm_chunk(rows_v, b, gam, bet)
            pltpu.async_copy(rows_v.at[b], out_slice(g), semo.at[b])
            return carry

        lax.fori_loop(0, n_chunk, chunk_body, 0)

        for g in (n_chunk - 2, n_chunk - 1):
            pltpu.make_async_copy(rows_v.at[g % _NB], out_slice(g),
                                  semo.at[g % _NB]).wait()

    return k


def kernel(input_ids, table, gamma, beta):
    b, seq = input_ids.shape
    n_tok = b * seq
    ids = input_ids.astype(jnp.int32).reshape(
        _NW, n_tok // (_NW * _CHUNK), _CHUNK)
    out = _make_kernel(n_tok)(ids, table, gamma, beta)
    return out.reshape(b, seq, _HIDDEN)

# --- scband reference (transcript-rebuilt; emitter-appended) ---
"""Pipeline reference for scband-embeddings-3195455668630 (READ-ONLY COPY).

The authoritative reference and input builder live on the scoring server;
editing this copy changes nothing except your own understanding.
"""

import jax, jax.numpy as jnp
import numpy as np

VOCAB = 1000000
HIDDEN = 128
BATCH = 1024
SEQ = 200
EPS = 1e-06


def setup_inputs(seed: int = 0) -> dict:
    key = jax.random.key(seed)
    k_ids, k_tab = jax.random.split(key)
    input_ids = jax.random.randint(k_ids, (BATCH, SEQ), 0, VOCAB, dtype=jnp.int64 if jax.config.read('jax_enable_x64') else jnp.int32)
    table = jax.random.normal(k_tab, (VOCAB, HIDDEN), dtype=jnp.float32) * 0.02
    gamma = jnp.ones((HIDDEN,), dtype=jnp.float32)
    beta = jnp.zeros((HIDDEN,), dtype=jnp.float32)
    return {"input_ids": input_ids, "table": table, "gamma": gamma, "beta": beta}


def reference(input_ids, table, gamma, beta):
    # Embedding lookup (gather)
    x = jnp.take(table, input_ids, axis=0)  # [B, S, H]
    # LayerNorm with eps=1e-6
    mean = jnp.mean(x, axis=-1, keepdims=True)
    var = jnp.mean(jnp.square(x - mean), axis=-1, keepdims=True)
    x = (x - mean) / jnp.sqrt(var + EPS)
    x = x * gamma + beta
    # Dropout is identity in eval/inference mode (deterministic reference)
    return x

if __name__ == "__main__":
    import jax
    _d = setup_inputs()
    print(jax.jit(kernel)(*tuple(_d.values())))

</pallas_src>

<mosaic_0001>
#map = affine_map<(d0, d1) -> (0, 0, 0)>
#map1 = affine_map<(d0, d1) -> (0, 0)>
#map2 = affine_map<(d0, d1) -> (0)>
module attributes {stable_mosaic.version = 14 : i64} {
  func.func @k(%arg0: i32, %arg1: i32, %arg2: memref<32x50x128xi32, #tpu.memory_space<hbm>>, %arg3: memref<1000000x128xf32, #tpu.memory_space<hbm>>, %arg4: memref<128xf32, #tpu.memory_space<hbm>>, %arg5: memref<128xf32, #tpu.memory_space<hbm>>, %arg6: memref<204800x128xf32, #tpu.memory_space<hbm>>, %arg7: memref<50x128xi32, #tpu.memory_space<vmem>>, %arg8: memref<3x128x128xf32, #tpu.memory_space<vmem>>, %arg9: memref<128xf32, #tpu.memory_space<vmem>>, %arg10: memref<128xf32, #tpu.memory_space<vmem>>, %arg11: memref<3x!tpu.dma_semaphore, #tpu.memory_space<semaphore_mem>>, %arg12: memref<3x!tpu.dma_semaphore, #tpu.memory_space<semaphore_mem>>) attributes {dimension_semantics = [#tpu.dimension_semantics<core_parallel>, #tpu.dimension_semantics<subcore_parallel>], iteration_bounds = array<i64: 2, 16>, scalar_prefetch = 0 : i64, scratch_operands = 6 : i64, tpu.core_type = #tpu.core_type<sc_vector_subcore>, window_params = [{transform_indices = #map}, {transform_indices = #map1}, {transform_indices = #map2}, {transform_indices = #map2}, {transform_indices = #map1}]} {
    %mul3A = arith.constant 2 : i32
    %mul3A_0 = arith.muli %arg1, %mul3A : i32
    %add3A = arith.addi %mul3A_0, %arg0 : i32
    "tpu.region"() ({
      %run_scoped3A = tpu.sem_alloc : memref<!tpu.dma_semaphore, #tpu.memory_space<semaphore_mem>>
      tpu.enqueue_dma source(%arg4 : memref<128xf32, #tpu.memory_space<hbm>>) target(%arg9 : memref<128xf32, #tpu.memory_space<vmem>>) target_semaphore(%run_scoped3A : memref<!tpu.dma_semaphore, #tpu.memory_space<semaphore_mem>>)
      tpu.wait_dma2 semaphore(%run_scoped3A : memref<!tpu.dma_semaphore, #tpu.memory_space<semaphore_mem>>) src(%arg4 : memref<128xf32, #tpu.memory_space<hbm>>) dst(%arg9 : memref<128xf32, #tpu.memory_space<vmem>>)
      tpu.yield
    }) : () -> ()
    "tpu.region"() ({
      %run_scoped3A = tpu.sem_alloc : memref<!tpu.dma_semaphore, #tpu.memory_space<semaphore_mem>>
      tpu.enqueue_dma source(%arg5 : memref<128xf32, #tpu.memory_space<hbm>>) target(%arg10 : memref<128xf32, #tpu.memory_space<vmem>>) target_semaphore(%run_scoped3A : memref<!tpu.dma_semaphore, #tpu.memory_space<semaphore_mem>>)
      tpu.wait_dma2 semaphore(%run_scoped3A : memref<!tpu.dma_semaphore, #tpu.memory_space<semaphore_mem>>) src(%arg5 : memref<128xf32, #tpu.memory_space<hbm>>) dst(%arg10 : memref<128xf32, #tpu.memory_space<vmem>>)
      tpu.yield
    }) : () -> ()
    %get3A = arith.constant 0 : index
    %get3A_1 = tpu.vector_load %arg9[%get3A] {strides = array<i32>} : memref<128xf32, #tpu.memory_space<vmem>>, vector<16xf32>,
    %get3A_2 = arith.constant 16 : index
    %get3A_3 = tpu.vector_load %arg9[%get3A_2] {strides = array<i32>} : memref<128xf32, #tpu.memory_space<vmem>>, vector<16xf32>,
    %get3A_4 = arith.constant 32 : index
    %get3A_5 = tpu.vector_load %arg9[%get3A_4] {strides = array<i32>} : memref<128xf32, #tpu.memory_space<vmem>>, vector<16xf32>,
    %get3A_6 = arith.constant 48 : index
    %get3A_7 = tpu.vector_load %arg9[%get3A_6] {strides = array<i32>} : memref<128xf32, #tpu.memory_space<vmem>>, vector<16xf32>,
    %get3A_8 = arith.constant 64 : index
    %get3A_9 = tpu.vector_load %arg9[%get3A_8] {strides = array<i32>} : memref<128xf32, #tpu.memory_space<vmem>>, vector<16xf32>,
    %get3A_10 = arith.constant 80 : index
    %get3A_11 = tpu.vector_load %arg9[%get3A_10] {strides = array<i32>} : memref<128xf32, #tpu.memory_space<vmem>>, vector<16xf32>,
    %get3A_12 = arith.constant 96 : index
    %get3A_13 = tpu.vector_load %arg9[%get3A_12] {strides = array<i32>} : memref<128xf32, #tpu.memory_space<vmem>>, vector<16xf32>,
    %get3A_14 = arith.constant 112 : index
    %get3A_15 = tpu.vector_load %arg9[%get3A_14] {strides = array<i32>} : memref<128xf32, #tpu.memory_space<vmem>>, vector<16xf32>,
    %get3A_16 = arith.constant 0 : index
    %get3A_17 = tpu.vector_load %arg10[%get3A_16] {strides = array<i32>} : memref<128xf32, #tpu.memory_space<vmem>>, vector<16xf32>,
    %get3A_18 = arith.constant 16 : index
    %get3A_19 = tpu.vector_load %arg10[%get3A_18] {strides = array<i32>} : memref<128xf32, #tpu.memory_space<vmem>>, vector<16xf32>,
    %get3A_20 = arith.constant 32 : index
    %get3A_21 = tpu.vector_load %arg10[%get3A_20] {strides = array<i32>} : memref<128xf32, #tpu.memory_space<vmem>>, vector<16xf32>,
    %get3A_22 = arith.constant 48 : index
    %get3A_23 = tpu.vector_load %arg10[%get3A_22] {strides = array<i32>} : memref<128xf32, #tpu.memory_space<vmem>>, vector<16xf32>,
    %get3A_24 = arith.constant 64 : index
    %get3A_25 = tpu.vector_load %arg10[%get3A_24] {strides = array<i32>} : memref<128xf32, #tpu.memory_space<vmem>>, vector<16xf32>,
    %get3A_26 = arith.constant 80 : index
    %get3A_27 = tpu.vector_load %arg10[%get3A_26] {strides = array<i32>} : memref<128xf32, #tpu.memory_space<vmem>>, vector<16xf32>,
    %get3A_28 = arith.constant 96 : index
    %get3A_29 = tpu.vector_load %arg10[%get3A_28] {strides = array<i32>} : memref<128xf32, #tpu.memory_space<vmem>>, vector<16xf32>,
    %get3A_30 = arith.constant 112 : index
    %get3A_31 = tpu.vector_load %arg10[%get3A_30] {strides = array<i32>} : memref<128xf32, #tpu.memory_space<vmem>>, vector<16xf32>,
    "tpu.region"() ({
      %run_scoped3A = tpu.sem_alloc : memref<!tpu.dma_semaphore, #tpu.memory_space<semaphore_mem>>
      %dma_start3A_88 = arith.constant 0 : i32
      %dma_start3A_89 = arith.constant 0 : i32
      %dma_start3A_90 = tpu.memref_slice %arg2[%add3A, %dma_start3A_88, %dma_start3A_89] : memref<32x50x128xi32, #tpu.memory_space<hbm>> -> memref<1x50x128xi32, #tpu.memory_space<hbm>>
      %dma_start3A_91 = tpu.memref_squeeze %dma_start3A_90 : memref<1x50x128xi32, #tpu.memory_space<hbm>> -> memref<50x128xi32, #tpu.memory_space<hbm>>
      %dma_start3A_92 = arith.constant 0 : i32
      %dma_start3A_93 = arith.constant 0 : i32
      %dma_start3A_94 = tpu.memref_slice %arg2[%add3A, %dma_start3A_92, %dma_start3A_93] : memref<32x50x128xi32, #tpu.memory_space<hbm>> -> memref<1x50x128xi32, #tpu.memory_space<hbm>>
      %dma_start3A_95 = tpu.memref_squeeze %dma_start3A_94 : memref<1x50x128xi32, #tpu.memory_space<hbm>> -> memref<50x128xi32, #tpu.memory_space<hbm>>
      tpu.enqueue_dma source(%dma_start3A_95 : memref<50x128xi32, #tpu.memory_space<hbm>>) target(%arg7 : memref<50x128xi32, #tpu.memory_space<vmem>>) target_semaphore(%run_scoped3A : memref<!tpu.dma_semaphore, #tpu.memory_space<semaphore_mem>>)
      %dma_wait3A_96 = arith.constant 0 : i32
      %dma_wait3A_97 = arith.constant 0 : i32
      %dma_wait3A_98 = tpu.memref_slice %arg2[%add3A, %dma_wait3A_96, %dma_wait3A_97] : memref<32x50x128xi32, #tpu.memory_space<hbm>> -> memref<1x50x128xi32, #tpu.memory_space<hbm>>
      %dma_wait3A_99 = tpu.memref_squeeze %dma_wait3A_98 : memref<1x50x128xi32, #tpu.memory_space<hbm>> -> memref<50x128xi32, #tpu.memory_space<hbm>>
      %dma_wait3A_100 = arith.constant 0 : i32
      %dma_wait3A_101 = arith.constant 0 : i32
      %dma_wait3A_102 = tpu.memref_slice %arg2[%add3A, %dma_wait3A_100, %dma_wait3A_101] : memref<32x50x128xi32, #tpu.memory_space<hbm>> -> memref<1x50x128xi32, #tpu.memory_space<hbm>>
      %dma_wait3A_103 = tpu.memref_squeeze %dma_wait3A_102 : memref<1x50x128xi32, #tpu.memory_space<hbm>> -> memref<50x128xi32, #tpu.memory_space<hbm>>
      tpu.wait_dma2 semaphore(%run_scoped3A : memref<!tpu.dma_semaphore, #tpu.memory_space<semaphore_mem>>) src(%dma_wait3A_103 : memref<50x128xi32, #tpu.memory_space<hbm>>) dst(%arg7 : memref<50x128xi32, #tpu.memory_space<vmem>>)
      tpu.yield
    }) : () -> ()
    %mul3A_32 = arith.constant 6400 : i32
    %mul3A_33 = arith.muli %add3A, %mul3A_32 : i32
    %dma_start3A = arith.constant 0 : i32
    %dma_start3A_34 = arith.constant 0 : i32
    %dma_start3A_35 = arith.constant 0 : i32
    %dma_start3A_36 = arith.constant 0 : i32
    %dma_start3A_37 = arith.constant 0 : i32
    %dma_start3A_38 = tpu.memref_slice %arg8[%dma_start3A_34, %dma_start3A_36, %dma_start3A_37] : memref<3x128x128xf32, #tpu.memory_space<vmem>> -> memref<1x128x128xf32, #tpu.memory_space<vmem>>
    %dma_start3A_39 = tpu.memref_squeeze %dma_start3A_38 : memref<1x128x128xf32, #tpu.memory_space<vmem>> -> memref<128x128xf32, #tpu.memory_space<vmem>>
    %dma_start3A_40 = arith.constant 0 : i32
    %dma_start3A_41 = tpu.memref_slice %arg7[%dma_start3A, %dma_start3A_40] : memref<50x128xi32, #tpu.memory_space<vmem>> -> memref<1x128xi32, #tpu.memory_space<vmem>>
    %dma_start3A_42 = tpu.memref_squeeze %dma_start3A_41 : memref<1x128xi32, #tpu.memory_space<vmem>> -> memref<128xi32, #tpu.memory_space<vmem>>
    %dma_start3A_43 = arith.constant 0 : i32
    %dma_start3A_44 = arith.constant 0 : i32
    %dma_start3A_45 = tpu.memref_slice %arg3[%dma_start3A_43, %dma_start3A_44] : memref<1000000x128xf32, #tpu.memory_space<hbm>> -> memref<1000000x128xf32, #tpu.memory_space<hbm>>
    %dma_start3A_46 = tpu.memref_slice %arg11[%dma_start3A_35] : memref<3x!tpu.dma_semaphore, #tpu.memory_space<semaphore_mem>> -> memref<1x!tpu.dma_semaphore, #tpu.memory_space<semaphore_mem>>
    %dma_start3A_47 = tpu.memref_squeeze %dma_start3A_46 : memref<1x!tpu.dma_semaphore, #tpu.memory_space<semaphore_mem>> -> memref<!tpu.dma_semaphore, #tpu.memory_space<semaphore_mem>>
    tpu.enqueue_indirect_dma source(%dma_start3A_45 : memref<1000000x128xf32, #tpu.memory_space<hbm>>) target(%dma_start3A_39 : memref<128x128xf32, #tpu.memory_space<vmem>>) offsets(%dma_start3A_42 : memref<128xi32, #tpu.memory_space<vmem>>) semaphore(%dma_start3A_47 : memref<!tpu.dma_semaphore, #tpu.memory_space<semaphore_mem>>)
    %scan3A = arith.constant 0 : i32
    %scan3A_48 = arith.constant 0 : i32
    %scan3A_49 = arith.constant 50 : i32
    %scan3A_50 = arith.addi %scan3A_48, %scan3A_49 : i32
    %scan3A_51 = arith.constant 1 : i32
    scf.for %scan3A_88 = %scan3A_48 to %scan3A_50 step %scan3A_51  : i32 {
      %rem3A = arith.constant 3 : i32
      %rem3A_89 = arith.remsi %scan3A_88, %rem3A : i32
      %add3A_90 = arith.constant 1 : i32
      %add3A_91 = arith.addi %scan3A_88, %add3A_90 : i32
      %rem3A_92 = arith.constant 3 : i32
      %rem3A_93 = arith.remsi %add3A_91, %rem3A_92 : i32
      %ge3A = arith.constant 2 : i32
      %ge3A_94 = arith.cmpi sge, %scan3A_88, %ge3A : i32
      %convert_element_type3A = arith.extui %ge3A_94 : i1 to i32
      %cond3A = arith.constant 0 : i32
      %cond3A_95 = arith.cmpi ne, %convert_element_type3A, %cond3A : i32
      scf.if %cond3A_95 {
        %sub3A = arith.constant 2 : i32
        %sub3A_133 = arith.subi %scan3A_88, %sub3A : i32
        %mul3A_134 = arith.constant 128 : i32
        %mul3A_135 = arith.muli %sub3A_133, %mul3A_134 : i32
        %add3A_136 = arith.addi %mul3A_33, %mul3A_135 : i32
        %dma_wait3A_137 = arith.constant 0 : i32
        %dma_wait3A_138 = arith.constant 0 : i32
        %dma_wait3A_139 = tpu.memref_slice %arg8[%rem3A_93, %dma_wait3A_137, %dma_wait3A_138] : memref<3x128x128xf32, #tpu.memory_space<vmem>> -> memref<1x128x128xf32, #tpu.memory_space<vmem>>
        %dma_wait3A_140 = tpu.memref_squeeze %dma_wait3A_139 : memref<1x128x128xf32, #tpu.memory_space<vmem>> -> memref<128x128xf32, #tpu.memory_space<vmem>>
        %dma_wait3A_141 = arith.constant 0 : i32
        %dma_wait3A_142 = tpu.memref_slice %arg6[%add3A_136, %dma_wait3A_141] : memref<204800x128xf32, #tpu.memory_space<hbm>> -> memref<128x128xf32, #tpu.memory_space<hbm>>
        %dma_wait3A_143 = tpu.memref_slice %arg12[%rem3A_93] : memref<3x!tpu.dma_semaphore, #tpu.memory_space<semaphore_mem>> -> memref<1x!tpu.dma_semaphore, #tpu.memory_space<semaphore_mem>>
        %dma_wait3A_144 = tpu.memref_squeeze %dma_wait3A_143 : memref<1x!tpu.dma_semaphore, #tpu.memory_space<semaphore_mem>> -> memref<!tpu.dma_semaphore, #tpu.memory_space<semaphore_mem>>
        %dma_wait3A_145 = arith.constant 0 : i32
        %dma_wait3A_146 = tpu.memref_slice %arg6[%add3A_136, %dma_wait3A_145] : memref<204800x128xf32, #tpu.memory_space<hbm>> -> memref<128x128xf32, #tpu.memory_space<hbm>>
        %dma_wait3A_147 = arith.constant 0 : i32
        %dma_wait3A_148 = arith.constant 0 : i32
        %dma_wait3A_149 = tpu.memref_slice %arg8[%rem3A_93, %dma_wait3A_147, %dma_wait3A_148] : memref<3x128x128xf32, #tpu.memory_space<vmem>> -> memref<1x128x128xf32, #tpu.memory_space<vmem>>
        %dma_wait3A_150 = tpu.memref_squeeze %dma_wait3A_149 : memref<1x128x128xf32, #tpu.memory_space<vmem>> -> memref<128x128xf32, #tpu.memory_space<vmem>>
        tpu.wait_dma2 semaphore(%dma_wait3A_144 : memref<!tpu.dma_semaphore, #tpu.memory_space<semaphore_mem>>) src(%dma_wait3A_150 : memref<128x128xf32, #tpu.memory_space<vmem>>) dst(%dma_wait3A_146 : memref<128x128xf32, #tpu.memory_space<hbm>>)
      } else {
      }
      %add3A_96 = arith.constant 1 : i32
      %add3A_97 = arith.addi %scan3A_88, %add3A_96 : i32
      %lt3A = arith.constant 50 : i32
      %lt3A_98 = arith.cmpi slt, %add3A_97, %lt3A : i32
      %convert_element_type3A_99 = arith.extui %lt3A_98 : i1 to i32
      %cond3A_100 = arith.constant 0 : i32
      %cond3A_101 = arith.cmpi ne, %convert_element_type3A_99, %cond3A_100 : i32
      scf.if %cond3A_101 {
        %add3A_133 = arith.constant 1 : i32
        %add3A_134 = arith.addi %scan3A_88, %add3A_133 : i32
        %dma_start3A_135 = arith.constant 0 : i32
        %dma_start3A_136 = arith.constant 0 : i32
        %dma_start3A_137 = tpu.memref_slice %arg8[%rem3A_93, %dma_start3A_135, %dma_start3A_136] : memref<3x128x128xf32, #tpu.memory_space<vmem>> -> memref<1x128x128xf32, #tpu.memory_space<vmem>>
        %dma_start3A_138 = tpu.memref_squeeze %dma_start3A_137 : memref<1x128x128xf32, #tpu.memory_space<vmem>> -> memref<128x128xf32, #tpu.memory_space<vmem>>
        %dma_start3A_139 = arith.constant 0 : i32
        %dma_start3A_140 = tpu.memref_slice %arg7[%add3A_134, %dma_start3A_139] : memref<50x128xi32, #tpu.memory_space<vmem>> -> memref<1x128xi32, #tpu.memory_space<vmem>>
        %dma_start3A_141 = tpu.memref_squeeze %dma_start3A_140 : memref<1x128xi32, #tpu.memory_space<vmem>> -> memref<128xi32, #tpu.memory_space<vmem>>
        %dma_start3A_142 = arith.constant 0 : i32
        %dma_start3A_143 = arith.constant 0 : i32
        %dma_start3A_144 = tpu.memref_slice %arg3[%dma_start3A_142, %dma_start3A_143] : memref<1000000x128xf32, #tpu.memory_space<hbm>> -> memref<1000000x128xf32, #tpu.memory_space<hbm>>
        %dma_start3A_145 = tpu.memref_slice %arg11[%rem3A_93] : memref<3x!tpu.dma_semaphore, #tpu.memory_space<semaphore_mem>> -> memref<1x!tpu.dma_semaphore, #tpu.memory_space<semaphore_mem>>
        %dma_start3A_146 = tpu.memref_squeeze %dma_start3A_145 : memref<1x!tpu.dma_semaphore, #tpu.memory_space<semaphore_mem>> -> memref<!tpu.dma_semaphore, #tpu.memory_space<semaphore_mem>>
        tpu.enqueue_indirect_dma source(%dma_start3A_144 : memref<1000000x128xf32, #tpu.memory_space<hbm>>) target(%dma_start3A_138 : memref<128x128xf32, #tpu.memory_space<vmem>>) offsets(%dma_start3A_141 : memref<128xi32, #tpu.memory_space<vmem>>) semaphore(%dma_start3A_146 : memref<!tpu.dma_semaphore, #tpu.memory_space<semaphore_mem>>)
      } else {
      }
      %dma_wait3A_102 = arith.constant 0 : i32
      %dma_wait3A_103 = arith.constant 0 : i32
      %dma_wait3A_104 = tpu.memref_slice %arg8[%rem3A_89, %dma_wait3A_102, %dma_wait3A_103] : memref<3x128x128xf32, #tpu.memory_space<vmem>> -> memref<1x128x128xf32, #tpu.memory_space<vmem>>
      %dma_wait3A_105 = tpu.memref_squeeze %dma_wait3A_104 : memref<1x128x128xf32, #tpu.memory_space<vmem>> -> memref<128x128xf32, #tpu.memory_space<vmem>>
      %dma_wait3A_106 = arith.constant 0 : i32
      %dma_wait3A_107 = tpu.memref_slice %arg7[%rem3A_89, %dma_wait3A_106] : memref<50x128xi32, #tpu.memory_space<vmem>> -> memref<1x128xi32, #tpu.memory_space<vmem>>
      %dma_wait3A_108 = tpu.memref_squeeze %dma_wait3A_107 : memref<1x128xi32, #tpu.memory_space<vmem>> -> memref<128xi32, #tpu.memory_space<vmem>>
      %dma_wait3A_109 = arith.constant 0 : i32
      %dma_wait3A_110 = arith.constant 0 : i32
      %dma_wait3A_111 = tpu.memref_slice %arg3[%dma_wait3A_109, %dma_wait3A_110] : memref<1000000x128xf32, #tpu.memory_space<hbm>> -> memref<1000000x128xf32, #tpu.memory_space<hbm>>
      %dma_wait3A_112 = tpu.memref_slice %arg11[%rem3A_89] : memref<3x!tpu.dma_semaphore, #tpu.memory_space<semaphore_mem>> -> memref<1x!tpu.dma_semaphore, #tpu.memory_space<semaphore_mem>>
      %dma_wait3A_113 = tpu.memref_squeeze %dma_wait3A_112 : memref<1x!tpu.dma_semaphore, #tpu.memory_space<semaphore_mem>> -> memref<!tpu.dma_semaphore, #tpu.memory_space<semaphore_mem>>
      tpu.wait_indirect_dma semaphore(%dma_wait3A_113 : memref<!tpu.dma_semaphore, #tpu.memory_space<semaphore_mem>>) src(%dma_wait3A_111 : memref<1000000x128xf32, #tpu.memory_space<hbm>>) dst(%dma_wait3A_105 : memref<128x128xf32, #tpu.memory_space<vmem>>)
      %parallel_loop3A = arith.constant 0 : i32
      %parallel_loop3A_114 = arith.constant 128 : i32
      %parallel_loop3A_115 = arith.constant 1 : i32
      scf.for %parallel_loop3A_133 = %parallel_loop3A to %parallel_loop3A_114 step %parallel_loop3A_115  : i32 {
        %parallel_loop3A_134 = arith.index_cast %rem3A_89 : i32 to index
        %parallel_loop3A_135 = arith.index_cast %parallel_loop3A_133 : i32 to index
        %parallel_loop3A_136 = arith.constant 0 : index
        %parallel_loop3A_137 = tpu.vector_load %arg8[%parallel_loop3A_134, %parallel_loop3A_135, %parallel_loop3A_136] {strides = array<i32>} : memref<3x128x128xf32, #tpu.memory_space<vmem>>, vector<16xf32>,
        %parallel_loop3A_138 = arith.index_cast %rem3A_89 : i32 to index
        %parallel_loop3A_139 = arith.index_cast %parallel_loop3A_133 : i32 to index
        %parallel_loop3A_140 = arith.constant 16 : index
        %parallel_loop3A_141 = tpu.vector_load %arg8[%parallel_loop3A_138, %parallel_loop3A_139, %parallel_loop3A_140] {strides = array<i32>} : memref<3x128x128xf32, #tpu.memory_space<vmem>>, vector<16xf32>,
        %parallel_loop3A_142 = arith.index_cast %rem3A_89 : i32 to index
        %parallel_loop3A_143 = arith.index_cast %parallel_loop3A_133 : i32 to index
        %parallel_loop3A_144 = arith.constant 32 : index
        %parallel_loop3A_145 = tpu.vector_load %arg8[%parallel_loop3A_142, %parallel_loop3A_143, %parallel_loop3A_144] {strides = array<i32>} : memref<3x128x128xf32, #tpu.memory_space<vmem>>, vector<16xf32>,
        %parallel_loop3A_146 = arith.index_cast %rem3A_89 : i32 to index
        %parallel_loop3A_147 = arith.index_cast %parallel_loop3A_133 : i32 to index
        %parallel_loop3A_148 = arith.constant 48 : index
        %parallel_loop3A_149 = tpu.vector_load %arg8[%parallel_loop3A_146, %parallel_loop3A_147, %parallel_loop3A_148] {strides = array<i32>} : memref<3x128x128xf32, #tpu.memory_space<vmem>>, vector<16xf32>,
        %parallel_loop3A_150 = arith.index_cast %rem3A_89 : i32 to index
        %parallel_loop3A_151 = arith.index_cast %parallel_loop3A_133 : i32 to index
        %parallel_loop3A_152 = arith.constant 64 : index
        %parallel_loop3A_153 = tpu.vector_load %arg8[%parallel_loop3A_150, %parallel_loop3A_151, %parallel_loop3A_152] {strides = array<i32>} : memref<3x128x128xf32, #tpu.memory_space<vmem>>, vector<16xf32>,
        %parallel_loop3A_154 = arith.index_cast %rem3A_89 : i32 to index
        %parallel_loop3A_155 = arith.index_cast %parallel_loop3A_133 : i32 to index
        %parallel_loop3A_156 = arith.constant 80 : index
        %parallel_loop3A_157 = tpu.vector_load %arg8[%parallel_loop3A_154, %parallel_loop3A_155, %parallel_loop3A_156] {strides = array<i32>} : memref<3x128x128xf32, #tpu.memory_space<vmem>>, vector<16xf32>,
        %parallel_loop3A_158 = arith.index_cast %rem3A_89 : i32 to index
        %parallel_loop3A_159 = arith.index_cast %parallel_loop3A_133 : i32 to index
        %parallel_loop3A_160 = arith.constant 96 : index
        %parallel_loop3A_161 = tpu.vector_load %arg8[%parallel_loop3A_158, %parallel_loop3A_159, %parallel_loop3A_160] {strides = array<i32>} : memref<3x128x128xf32, #tpu.memory_space<vmem>>, vector<16xf32>,
        %parallel_loop3A_162 = arith.index_cast %rem3A_89 : i32 to index
        %parallel_loop3A_163 = arith.index_cast %parallel_loop3A_133 : i32 to index
        %parallel_loop3A_164 = arith.constant 112 : index
        %parallel_loop3A_165 = tpu.vector_load %arg8[%parallel_loop3A_162, %parallel_loop3A_163, %parallel_loop3A_164] {strides = array<i32>} : memref<3x128x128xf32, #tpu.memory_space<vmem>>, vector<16xf32>,
        %parallel_loop3A_166 = arith.mulf %parallel_loop3A_137, %parallel_loop3A_137 : vector<16xf32>
        %parallel_loop3A_167 = arith.addf %parallel_loop3A_137, %parallel_loop3A_141 : vector<16xf32>
        %parallel_loop3A_168 = arith.mulf %parallel_loop3A_141, %parallel_loop3A_141 : vector<16xf32>
        %parallel_loop3A_169 = arith.addf %parallel_loop3A_166, %parallel_loop3A_168 : vector<16xf32>
        %parallel_loop3A_170 = arith.addf %parallel_loop3A_167, %parallel_loop3A_145 : vector<16xf32>
        %parallel_loop3A_171 = arith.mulf %parallel_loop3A_145, %parallel_loop3A_145 : vector<16xf32>
        %parallel_loop3A_172 = arith.addf %parallel_loop3A_169, %parallel_loop3A_171 : vector<16xf32>
        %parallel_loop3A_173 = arith.addf %parallel_loop3A_170, %parallel_loop3A_149 : vector<16xf32>
        %parallel_loop3A_174 = arith.mulf %parallel_loop3A_149, %parallel_loop3A_149 : vector<16xf32>
        %parallel_loop3A_175 = arith.addf %parallel_loop3A_172, %parallel_loop3A_174 : vector<16xf32>
        %parallel_loop3A_176 = arith.addf %parallel_loop3A_173, %parallel_loop3A_153 : vector<16xf32>
        %parallel_loop3A_177 = arith.mulf %parallel_loop3A_153, %parallel_loop3A_153 : vector<16xf32>
        %parallel_loop3A_178 = arith.addf %parallel_loop3A_175, %parallel_loop3A_177 : vector<16xf32>
        %parallel_loop3A_179 = arith.addf %parallel_loop3A_176, %parallel_loop3A_157 : vector<16xf32>
        %parallel_loop3A_180 = arith.mulf %parallel_loop3A_157, %parallel_loop3A_157 : vector<16xf32>
        %parallel_loop3A_181 = arith.addf %parallel_loop3A_178, %parallel_loop3A_180 : vector<16xf32>
        %parallel_loop3A_182 = arith.addf %parallel_loop3A_179, %parallel_loop3A_161 : vector<16xf32>
        %parallel_loop3A_183 = arith.mulf %parallel_loop3A_161, %parallel_loop3A_161 : vector<16xf32>
        %parallel_loop3A_184 = arith.addf %parallel_loop3A_181, %parallel_loop3A_183 : vector<16xf32>
        %parallel_loop3A_185 = arith.addf %parallel_loop3A_182, %parallel_loop3A_165 : vector<16xf32>
        %parallel_loop3A_186 = arith.mulf %parallel_loop3A_165, %parallel_loop3A_165 : vector<16xf32>
        %parallel_loop3A_187 = arith.addf %parallel_loop3A_184, %parallel_loop3A_186 : vector<16xf32>
        %parallel_loop3A_188 = arith.constant true
        %parallel_loop3A_189 = vector.broadcast %parallel_loop3A_188 : i1 to vector<16xi1>
        %parallel_loop3A_190 = tpu.scan <sum>, %parallel_loop3A_185 masked %parallel_loop3A_189 : vector<16xf32>, vector<16xi1> -> vector<16xf32>
        %parallel_loop3A_191 = vector.extract %parallel_loop3A_190[15] : f32 from vector<16xf32>
        %parallel_loop3A_192 = arith.constant true
        %parallel_loop3A_193 = vector.broadcast %parallel_loop3A_192 : i1 to vector<16xi1>
        %parallel_loop3A_194 = tpu.scan <sum>, %parallel_loop3A_187 masked %parallel_loop3A_193 : vector<16xf32>, vector<16xi1> -> vector<16xf32>
        %parallel_loop3A_195 = vector.extract %parallel_loop3A_194[15] : f32 from vector<16xf32>
        %parallel_loop3A_196 = arith.constant 7.812500e-03 : f32
        %parallel_loop3A_197 = arith.mulf %parallel_loop3A_191, %parallel_loop3A_196 : f32
        %parallel_loop3A_198 = arith.constant 7.812500e-03 : f32
        %parallel_loop3A_199 = arith.mulf %parallel_loop3A_195, %parallel_loop3A_198 : f32
        %parallel_loop3A_200 = arith.mulf %parallel_loop3A_197, %parallel_loop3A_197 : f32
        %parallel_loop3A_201 = arith.subf %parallel_loop3A_199, %parallel_loop3A_200 : f32
        %parallel_loop3A_202 = arith.constant 9.99999997E-7 : f32
        %parallel_loop3A_203 = arith.addf %parallel_loop3A_201, %parallel_loop3A_202 : f32
        %parallel_loop3A_204 = vector.broadcast %parallel_loop3A_203 : f32 to vector<16xf32>
        %parallel_loop3A_205 = tpu.bitcast %parallel_loop3A_204 : vector<16xf32> -> vector<16xi32>
        %parallel_loop3A_206 = arith.constant 1597463007 : i32
        %parallel_loop3A_207 = vector.broadcast %parallel_loop3A_206 : i32 to vector<16xi32>
        %parallel_loop3A_208 = arith.constant 1 : i32
        %parallel_loop3A_209 = vector.broadcast %parallel_loop3A_208 : i32 to vector<16xi32>
        %parallel_loop3A_210 = arith.shrui %parallel_loop3A_205, %parallel_loop3A_209 : vector<16xi32>
        %parallel_loop3A_211 = arith.subi %parallel_loop3A_207, %parallel_loop3A_210 : vector<16xi32>
        %parallel_loop3A_212 = tpu.bitcast %parallel_loop3A_211 : vector<16xi32> -> vector<16xf32>
        %parallel_loop3A_213 = arith.constant 5.000000e-01 : f32
        %parallel_loop3A_214 = vector.broadcast %parallel_loop3A_213 : f32 to vector<16xf32>
        %parallel_loop3A_215 = arith.mulf %parallel_loop3A_214, %parallel_loop3A_204 : vector<16xf32>
        %parallel_loop3A_216 = arith.mulf %parallel_loop3A_215, %parallel_loop3A_212 : vector<16xf32>
        %parallel_loop3A_217 = arith.mulf %parallel_loop3A_216, %parallel_loop3A_212 : vector<16xf32>
        %parallel_loop3A_218 = arith.constant 1.500000e+00 : f32
        %parallel_loop3A_219 = vector.broadcast %parallel_loop3A_218 : f32 to vector<16xf32>
        %parallel_loop3A_220 = arith.subf %parallel_loop3A_219, %parallel_loop3A_217 : vector<16xf32>
        %parallel_loop3A_221 = arith.mulf %parallel_loop3A_212, %parallel_loop3A_220 : vector<16xf32>
        %parallel_loop3A_222 = arith.mulf %parallel_loop3A_215, %parallel_loop3A_221 : vector<16xf32>
        %parallel_loop3A_223 = arith.mulf %parallel_loop3A_222, %parallel_loop3A_221 : vector<16xf32>
        %parallel_loop3A_224 = arith.constant 1.500000e+00 : f32
        %parallel_loop3A_225 = vector.broadcast %parallel_loop3A_224 : f32 to vector<16xf32>
        %parallel_loop3A_226 = arith.subf %parallel_loop3A_225, %parallel_loop3A_223 : vector<16xf32>
        %parallel_loop3A_227 = arith.mulf %parallel_loop3A_221, %parallel_loop3A_226 : vector<16xf32>
        %parallel_loop3A_228 = arith.mulf %parallel_loop3A_215, %parallel_loop3A_227 : vector<16xf32>
        %parallel_loop3A_229 = arith.mulf %parallel_loop3A_228, %parallel_loop3A_227 : vector<16xf32>
        %parallel_loop3A_230 = arith.constant 1.500000e+00 : f32
        %parallel_loop3A_231 = vector.broadcast %parallel_loop3A_230 : f32 to vector<16xf32>
        %parallel_loop3A_232 = arith.subf %parallel_loop3A_231, %parallel_loop3A_229 : vector<16xf32>
        %parallel_loop3A_233 = arith.mulf %parallel_loop3A_227, %parallel_loop3A_232 : vector<16xf32>
        %parallel_loop3A_234 = vector.broadcast %parallel_loop3A_197 : f32 to vector<16xf32>
        %parallel_loop3A_235 = arith.mulf %parallel_loop3A_233, %get3A_1 : vector<16xf32>
        %parallel_loop3A_236 = arith.subf %parallel_loop3A_137, %parallel_loop3A_234 : vector<16xf32>
        %parallel_loop3A_237 = arith.mulf %parallel_loop3A_236, %parallel_loop3A_235 : vector<16xf32>
        %parallel_loop3A_238 = arith.addf %parallel_loop3A_237, %get3A_17 : vector<16xf32>
        %parallel_loop3A_239 = arith.index_cast %rem3A_89 : i32 to index
        %parallel_loop3A_240 = arith.index_cast %parallel_loop3A_133 : i32 to index
        %parallel_loop3A_241 = arith.constant 0 : index
        %parallel_loop3A_242 = tpu.vector_load %arg8[%parallel_loop3A_239, %parallel_loop3A_240, %parallel_loop3A_241] {strides = array<i32>} : memref<3x128x128xf32, #tpu.memory_space<vmem>>, vector<16xf32>,
        tpu.vector_store %arg8[%parallel_loop3A_239, %parallel_loop3A_240, %parallel_loop3A_241], %parallel_loop3A_238 {strides = array<i32>} : memref<3x128x128xf32, #tpu.memory_space<vmem>>, vector<16xf32>,
        %parallel_loop3A_243 = arith.mulf %parallel_loop3A_233, %get3A_3 : vector<16xf32>
        %parallel_loop3A_244 = arith.subf %parallel_loop3A_141, %parallel_loop3A_234 : vector<16xf32>
        %parallel_loop3A_245 = arith.mulf %parallel_loop3A_244, %parallel_loop3A_243 : vector<16xf32>
        %parallel_loop3A_246 = arith.addf %parallel_loop3A_245, %get3A_19 : vector<16xf32>
        %parallel_loop3A_247 = arith.index_cast %rem3A_89 : i32 to index
        %parallel_loop3A_248 = arith.index_cast %parallel_loop3A_133 : i32 to index
        %parallel_loop3A_249 = arith.constant 16 : index
        %parallel_loop3A_250 = tpu.vector_load %arg8[%parallel_loop3A_247, %parallel_loop3A_248, %parallel_loop3A_249] {strides = array<i32>} : memref<3x128x128xf32, #tpu.memory_space<vmem>>, vector<16xf32>,
        tpu.vector_store %arg8[%parallel_loop3A_247, %parallel_loop3A_248, %parallel_loop3A_249], %parallel_loop3A_246 {strides = array<i32>} : memref<3x128x128xf32, #tpu.memory_space<vmem>>, vector<16xf32>,
        %parallel_loop3A_251 = arith.mulf %parallel_loop3A_233, %get3A_5 : vector<16xf32>
        %parallel_loop3A_252 = arith.subf %parallel_loop3A_145, %parallel_loop3A_234 : vector<16xf32>
        %parallel_loop3A_253 = arith.mulf %parallel_loop3A_252, %parallel_loop3A_251 : vector<16xf32>
        %parallel_loop3A_254 = arith.addf %parallel_loop3A_253, %get3A_21 : vector<16xf32>
        %parallel_loop3A_255 = arith.index_cast %rem3A_89 : i32 to index
        %parallel_loop3A_256 = arith.index_cast %parallel_loop3A_133 : i32 to index
        %parallel_loop3A_257 = arith.constant 32 : index
        %parallel_loop3A_258 = tpu.vector_load %arg8[%parallel_loop3A_255, %parallel_loop3A_256, %parallel_loop3A_257] {strides = array<i32>} : memref<3x128x128xf32, #tpu.memory_space<vmem>>, vector<16xf32>,
        tpu.vector_store %arg8[%parallel_loop3A_255, %parallel_loop3A_256, %parallel_loop3A_257], %parallel_loop3A_254 {strides = array<i32>} : memref<3x128x128xf32, #tpu.memory_space<vmem>>, vector<16xf32>,
        %parallel_loop3A_259 = arith.mulf %parallel_loop3A_233, %get3A_7 : vector<16xf32>
        %parallel_loop3A_260 = arith.subf %parallel_loop3A_149, %parallel_loop3A_234 : vector<16xf32>
        %parallel_loop3A_261 = arith.mulf %parallel_loop3A_260, %parallel_loop3A_259 : vector<16xf32>
        %parallel_loop3A_262 = arith.addf %parallel_loop3A_261, %get3A_23 : vector<16xf32>
        %parallel_loop3A_263 = arith.index_cast %rem3A_89 : i32 to index
        %parallel_loop3A_264 = arith.index_cast %parallel_loop3A_133 : i32 to index
        %parallel_loop3A_265 = arith.constant 48 : index
        %parallel_loop3A_266 = tpu.vector_load %arg8[%parallel_loop3A_263, %parallel_loop3A_264, %parallel_loop3A_265] {strides = array<i32>} : memref<3x128x128xf32, #tpu.memory_space<vmem>>, vector<16xf32>,
        tpu.vector_store %arg8[%parallel_loop3A_263, %parallel_loop3A_264, %parallel_loop3A_265], %parallel_loop3A_262 {strides = array<i32>} : memref<3x128x128xf32, #tpu.memory_space<vmem>>, vector<16xf32>,
        %parallel_loop3A_267 = arith.mulf %parallel_loop3A_233, %get3A_9 : vector<16xf32>
        %parallel_loop3A_268 = arith.subf %parallel_loop3A_153, %parallel_loop3A_234 : vector<16xf32>
        %parallel_loop3A_269 = arith.mulf %parallel_loop3A_268, %parallel_loop3A_267 : vector<16xf32>
        %parallel_loop3A_270 = arith.addf %parallel_loop3A_269, %get3A_25 : vector<16xf32>
        %parallel_loop3A_271 = arith.index_cast %rem3A_89 : i32 to index
        %parallel_loop3A_272 = arith.index_cast %parallel_loop3A_133 : i32 to index
        %parallel_loop3A_273 = arith.constant 64 : index
        %parallel_loop3A_274 = tpu.vector_load %arg8[%parallel_loop3A_271, %parallel_loop3A_272, %parallel_loop3A_273] {strides = array<i32>} : memref<3x128x128xf32, #tpu.memory_space<vmem>>, vector<16xf32>,
        tpu.vector_store %arg8[%parallel_loop3A_271, %parallel_loop3A_272, %parallel_loop3A_273], %parallel_loop3A_270 {strides = array<i32>} : memref<3x128x128xf32, #tpu.memory_space<vmem>>, vector<16xf32>,
        %parallel_loop3A_275 = arith.mulf %parallel_loop3A_233, %get3A_11 : vector<16xf32>
        %parallel_loop3A_276 = arith.subf %parallel_loop3A_157, %parallel_loop3A_234 : vector<16xf32>
        %parallel_loop3A_277 = arith.mulf %parallel_loop3A_276, %parallel_loop3A_275 : vector<16xf32>
        %parallel_loop3A_278 = arith.addf %parallel_loop3A_277, %get3A_27 : vector<16xf32>
        %parallel_loop3A_279 = arith.index_cast %rem3A_89 : i32 to index
        %parallel_loop3A_280 = arith.index_cast %parallel_loop3A_133 : i32 to index
        %parallel_loop3A_281 = arith.constant 80 : index
        %parallel_loop3A_282 = tpu.vector_load %arg8[%parallel_loop3A_279, %parallel_loop3A_280, %parallel_loop3A_281] {strides = array<i32>} : memref<3x128x128xf32, #tpu.memory_space<vmem>>, vector<16xf32>,
        tpu.vector_store %arg8[%parallel_loop3A_279, %parallel_loop3A_280, %parallel_loop3A_281], %parallel_loop3A_278 {strides = array<i32>} : memref<3x128x128xf32, #tpu.memory_space<vmem>>, vector<16xf32>,
        %parallel_loop3A_283 = arith.mulf %parallel_loop3A_233, %get3A_13 : vector<16xf32>
        %parallel_loop3A_284 = arith.subf %parallel_loop3A_161, %parallel_loop3A_234 : vector<16xf32>
        %parallel_loop3A_285 = arith.mulf %parallel_loop3A_284, %parallel_loop3A_283 : vector<16xf32>
        %parallel_loop3A_286 = arith.addf %parallel_loop3A_285, %get3A_29 : vector<16xf32>
        %parallel_loop3A_287 = arith.index_cast %rem3A_89 : i32 to index
        %parallel_loop3A_288 = arith.index_cast %parallel_loop3A_133 : i32 to index
        %parallel_loop3A_289 = arith.constant 96 : index
        %parallel_loop3A_290 = tpu.vector_load %arg8[%parallel_loop3A_287, %parallel_loop3A_288, %parallel_loop3A_289] {strides = array<i32>} : memref<3x128x128xf32, #tpu.memory_space<vmem>>, vector<16xf32>,
        tpu.vector_store %arg8[%parallel_loop3A_287, %parallel_loop3A_288, %parallel_loop3A_289], %parallel_loop3A_286 {strides = array<i32>} : memref<3x128x128xf32, #tpu.memory_space<vmem>>, vector<16xf32>,
        %parallel_loop3A_291 = arith.mulf %parallel_loop3A_233, %get3A_15 : vector<16xf32>
        %parallel_loop3A_292 = arith.subf %parallel_loop3A_165, %parallel_loop3A_234 : vector<16xf32>
        %parallel_loop3A_293 = arith.mulf %parallel_loop3A_292, %parallel_loop3A_291 : vector<16xf32>
        %parallel_loop3A_294 = arith.addf %parallel_loop3A_293, %get3A_31 : vector<16xf32>
        %parallel_loop3A_295 = arith.index_cast %rem3A_89 : i32 to index
        %parallel_loop3A_296 = arith.index_cast %parallel_loop3A_133 : i32 to index
        %parallel_loop3A_297 = arith.constant 112 : index
        %parallel_loop3A_298 = tpu.vector_load %arg8[%parallel_loop3A_295, %parallel_loop3A_296, %parallel_loop3A_297] {strides = array<i32>} : memref<3x128x128xf32, #tpu.memory_space<vmem>>, vector<16xf32>,
        tpu.vector_store %arg8[%parallel_loop3A_295, %parallel_loop3A_296, %parallel_loop3A_297], %parallel_loop3A_294 {strides = array<i32>} : memref<3x128x128xf32, #tpu.memory_space<vmem>>, vector<16xf32>,
      } {sc.loop_unroll_factor = 2 : i64, sc.parallel_access}
      %mul3A_116 = arith.constant 128 : i32
      %mul3A_117 = arith.muli %scan3A_88, %mul3A_116 : i32
      %add3A_118 = arith.addi %mul3A_33, %mul3A_117 : i32
      %dma_start3A_119 = arith.constant 0 : i32
      %dma_start3A_120 = arith.constant 0 : i32
      %dma_start3A_121 = tpu.memref_slice %arg8[%rem3A_89, %dma_start3A_119, %dma_start3A_120] : memref<3x128x128xf32, #tpu.memory_space<vmem>> -> memref<1x128x128xf32, #tpu.memory_space<vmem>>
      %dma_start3A_122 = tpu.memref_squeeze %dma_start3A_121 : memref<1x128x128xf32, #tpu.memory_space<vmem>> -> memref<128x128xf32, #tpu.memory_space<vmem>>
      %dma_start3A_123 = arith.constant 0 : i32
      %dma_start3A_124 = tpu.memref_slice %arg6[%add3A_118, %dma_start3A_123] : memref<204800x128xf32, #tpu.memory_space<hbm>> -> memref<128x128xf32, #tpu.memory_space<hbm>>
      %dma_start3A_125 = tpu.memref_slice %arg12[%rem3A_89] : memref<3x!tpu.dma_semaphore, #tpu.memory_space<semaphore_mem>> -> memref<1x!tpu.dma_semaphore, #tpu.memory_space<semaphore_mem>>
      %dma_start3A_126 = tpu.memref_squeeze %dma_start3A_125 : memref<1x!tpu.dma_semaphore, #tpu.memory_space<semaphore_mem>> -> memref<!tpu.dma_semaphore, #tpu.memory_space<semaphore_mem>>
      %dma_start3A_127 = arith.constant 0 : i32
      %dma_start3A_128 = tpu.memref_slice %arg6[%add3A_118, %dma_start3A_127] : memref<204800x128xf32, #tpu.memory_space<hbm>> -> memref<128x128xf32, #tpu.memory_space<hbm>>
      %dma_start3A_129 = arith.constant 0 : i32
      %dma_start3A_130 = arith.constant 0 : i32
      %dma_start3A_131 = tpu.memref_slice %arg8[%rem3A_89, %dma_start3A_129, %dma_start3A_130] : memref<3x128x128xf32, #tpu.memory_space<vmem>> -> memref<1x128x128xf32, #tpu.memory_space<vmem>>
      %dma_start3A_132 = tpu.memref_squeeze %dma_start3A_131 : memref<1x128x128xf32, #tpu.memory_space<vmem>> -> memref<128x128xf32, #tpu.memory_space<vmem>>
      tpu.enqueue_dma source(%dma_start3A_132 : memref<128x128xf32, #tpu.memory_space<vmem>>) target(%dma_start3A_128 : memref<128x128xf32, #tpu.memory_space<hbm>>) target_semaphore(%dma_start3A_126 : memref<!tpu.dma_semaphore, #tpu.memory_space<semaphore_mem>>)
    }
    %scan3A_52 = arith.constant 50 : i32
    %add3A_53 = arith.constant 6144 : i32
    %add3A_54 = arith.addi %mul3A_33, %add3A_53 : i32
    %dma_wait3A = arith.constant 0 : i32
    %dma_wait3A_55 = arith.constant 0 : i32
    %dma_wait3A_56 = arith.constant 0 : i32
    %dma_wait3A_57 = arith.constant 0 : i32
    %dma_wait3A_58 = tpu.memref_slice %arg8[%dma_wait3A, %dma_wait3A_56, %dma_wait3A_57] : memref<3x128x128xf32, #tpu.memory_space<vmem>> -> memref<1x128x128xf32, #tpu.memory_space<vmem>>
    %dma_wait3A_59 = tpu.memref_squeeze %dma_wait3A_58 : memref<1x128x128xf32, #tpu.memory_space<vmem>> -> memref<128x128xf32, #tpu.memory_space<vmem>>
    %dma_wait3A_60 = arith.constant 0 : i32
    %dma_wait3A_61 = tpu.memref_slice %arg6[%add3A_54, %dma_wait3A_60] : memref<204800x128xf32, #tpu.memory_space<hbm>> -> memref<128x128xf32, #tpu.memory_space<hbm>>
    %dma_wait3A_62 = tpu.memref_slice %arg12[%dma_wait3A_55] : memref<3x!tpu.dma_semaphore, #tpu.memory_space<semaphore_mem>> -> memref<1x!tpu.dma_semaphore, #tpu.memory_space<semaphore_mem>>
    %dma_wait3A_63 = tpu.memref_squeeze %dma_wait3A_62 : memref<1x!tpu.dma_semaphore, #tpu.memory_space<semaphore_mem>> -> memref<!tpu.dma_semaphore, #tpu.memory_space<semaphore_mem>>
    %dma_wait3A_64 = arith.constant 0 : i32
    %dma_wait3A_65 = tpu.memref_slice %arg6[%add3A_54, %dma_wait3A_64] : memref<204800x128xf32, #tpu.memory_space<hbm>> -> memref<128x128xf32, #tpu.memory_space<hbm>>
    %dma_wait3A_66 = arith.constant 0 : i32
    %dma_wait3A_67 = arith.constant 0 : i32
    %dma_wait3A_68 = tpu.memref_slice %arg8[%dma_wait3A, %dma_wait3A_66, %dma_wait3A_67] : memref<3x128x128xf32, #tpu.memory_space<vmem>> -> memref<1x128x128xf32, #tpu.memory_space<vmem>>
    %dma_wait3A_69 = tpu.memref_squeeze %dma_wait3A_68 : memref<1x128x128xf32, #tpu.memory_space<vmem>> -> memref<128x128xf32, #tpu.memory_space<vmem>>
    tpu.wait_dma2 semaphore(%dma_wait3A_63 : memref<!tpu.dma_semaphore, #tpu.memory_space<semaphore_mem>>) src(%dma_wait3A_69 : memref<128x128xf32, #tpu.memory_space<vmem>>) dst(%dma_wait3A_65 : memref<128x128xf32, #tpu.memory_space<hbm>>)
    %add3A_70 = arith.constant 6272 : i32
    %add3A_71 = arith.addi %mul3A_33, %add3A_70 : i32
    %dma_wait3A_72 = arith.constant 1 : i32
    %dma_wait3A_73 = arith.constant 1 : i32
    %dma_wait3A_74 = arith.constant 0 : i32
    %dma_wait3A_75 = arith.constant 0 : i32
    %dma_wait3A_76 = tpu.memref_slice %arg8[%dma_wait3A_72, %dma_wait3A_74, %dma_wait3A_75] : memref<3x128x128xf32, #tpu.memory_space<vmem>> -> memref<1x128x128xf32, #tpu.memory_space<vmem>>
    %dma_wait3A_77 = tpu.memref_squeeze %dma_wait3A_76 : memref<1x128x128xf32, #tpu.memory_space<vmem>> -> memref<128x128xf32, #tpu.memory_space<vmem>>
    %dma_wait3A_78 = arith.constant 0 : i32
    %dma_wait3A_79 = tpu.memref_slice %arg6[%add3A_71, %dma_wait3A_78] : memref<204800x128xf32, #tpu.memory_space<hbm>> -> memref<128x128xf32, #tpu.memory_space<hbm>>
    %dma_wait3A_80 = tpu.memref_slice %arg12[%dma_wait3A_73] : memref<3x!tpu.dma_semaphore, #tpu.memory_space<semaphore_mem>> -> memref<1x!tpu.dma_semaphore, #tpu.memory_space<semaphore_mem>>
    %dma_wait3A_81 = tpu.memref_squeeze %dma_wait3A_80 : memref<1x!tpu.dma_semaphore, #tpu.memory_space<semaphore_mem>> -> memref<!tpu.dma_semaphore, #tpu.memory_space<semaphore_mem>>
    %dma_wait3A_82 = arith.constant 0 : i32
    %dma_wait3A_83 = tpu.memref_slice %arg6[%add3A_71, %dma_wait3A_82] : memref<204800x128xf32, #tpu.memory_space<hbm>> -> memref<128x128xf32, #tpu.memory_space<hbm>>
    %dma_wait3A_84 = arith.constant 0 : i32
    %dma_wait3A_85 = arith.constant 0 : i32
    %dma_wait3A_86 = tpu.memref_slice %arg8[%dma_wait3A_72, %dma_wait3A_84, %dma_wait3A_85] : memref<3x128x128xf32, #tpu.memory_space<vmem>> -> memref<1x128x128xf32, #tpu.memory_space<vmem>>
    %dma_wait3A_87 = tpu.memref_squeeze %dma_wait3A_86 : memref<1x128x128xf32, #tpu.memory_space<vmem>> -> memref<128x128xf32, #tpu.memory_space<vmem>>
    tpu.wait_dma2 semaphore(%dma_wait3A_81 : memref<!tpu.dma_semaphore, #tpu.memory_space<semaphore_mem>>) src(%dma_wait3A_87 : memref<128x128xf32, #tpu.memory_space<vmem>>) dst(%dma_wait3A_83 : memref<128x128xf32, #tpu.memory_space<hbm>>)
    return
  }
}

</mosaic_0001>

<sc_bundles>
// kernel: kernel.3.cloned.1.call-start
scs
__scs_entry_jumppad:
0x0: {  	(pc) =	sbr.rel $0x88, $3  }
0x1: {  	(tag) =	ssettag $0x0;
	lr =	simm.s32 $0x1  }
0x2: {  	[smem:$0x3F9D] =	sst lr;
	_ =	strace $0xD0000000  }
0x3: {  	_ = 	snop  }
0x4: {  	_ = 	snop  }
0x5: {  	_ = 	snop  }
0x6: {  	_ = 	snop  }
0x7: {  	_ = 	snop  }
__scs_overlays_trampoline_lowered:
0x8: {  	[smem:$0x3FAC] =	sst s0  }
0x9: {  	[smem:$0x3FAD] =	sst s1  }
0xa: {  	[smem:$0x3FAE] =	sst s2  }
0xb: {  	[smem:$0x3FAF] =	sst s3  }
0xc: {  	[smem:$0x3FB0] =	sst s4  }
0xd: {  	[smem:$0x3FB1] =	sst s5  }
0xe: {  	[smem:$0x3FB2] =	sst s6  }
0xf: {  	[smem:$0x3FB3] =	sst s7  }
0x10: {  	[smem:$0x3FB4] =	sst s8  }
0x11: {  	[smem:$0x3FB5] =	sst s9;
	s0 =	simm.s32 @!p0 $0x0  }
0x12: {  	s1 =	sld [smem:$0x3F9B];
	s0 =	simm.s32 @p0 $0x1  }
0x13: {  	[smem:$0x3FB6] =	sst s0;
	s0 =	simm.s32 @!p1 $0x0  }
0x14: {  	s2 =	sld [smem:$0x3F9A];
	s0 =	simm.s32 @p1 $0x1  }
0x15: {  	[smem:$0x3FB7] =	sst s0;
	s0 =	simm.s32 @!p2 $0x0  }
0x16: {  	s3 =	sld [smem:$0x3FDB];
	s0 =	simm.s32 @p2 $0x1  }
0x17: {  	s4 =	simm.s32 $0x1BF5;
	[smem:$0x3FB9] =	sst s0  }
0x18: {  	s0 =	sld [smem:$0x3F9C];
	_ =	swait.ge [sflag:s4], $0x0  }
0x19: {  	s7 =	sld [smem:$0x3F9D]  }
0x1a: {  	s8 =	sadd.s32 $0xFFFFE003, lr  }
0x1b: {  	s9 =	sadd.s32 $0xFFFFFEF7, lr;
	s5 =	simm.s32 $0xFFFFFFFF;
	p2 =	slt.u32 s8, $0xFFFFF086  }
0x1c: {  	p1 =	slt.u32 s9, $0xF7A;
	s5 =	simm.s32 @!p2 $0x0  }
0x1d: {  	s5 =	simm.s32 @p1 $0x1;
	p0 =	seq.s32 s7, s2  }
0x1e: {  	s7 =	smul.u32 @!p0 $0xF7A, s2;
	p2 =	seq.s32 @!p0 s5, $0x0  }
0x1f: {  	s9 =	smul.u32 $0xF7A, s1;
	s8 =	simm.s32 @!p0 $0x1BF5;
	p2 =	por !p2, p0  }
0x20: {  	[sflag:s8] =	ssyncset.s32 @!p0 $0xFFFFF086;
	s6 =	sadd.s32 @!p0 s3, s7;
	s7 =	simm.s32 @!p0 $0x108  }
0x21: {  	s3 =	sadd.s32 s3, s9;
	s6 =	sadd.s32 @!p0 $0x88, s6;
	s7 =	simm.s32 @p2 $0x1082  }
0x22: {  	[simem:s7], [sflag:s8] =	dma.local @!p0 [hbm:s6], $0xF7A  }
0x23: {  	s9 =	sor.u32 $0xD0000000, s2;
	s6 =	simm.s32 $0x108;
	_ =	swait.ge @!p0 [sflag:s8], $0x0  }
0x24: {  	s3 =	sadd.s32 $0x88, s3;
	s6 =	simm.s32 @!p1 $0x1082;
	[sflag:s4] =	ssyncset.s32 $0xFFFFF086  }
0x25: {  	[simem:s6], [sflag:s4] =	dma.local [hbm:s3], $0xF7A  }
0x26: {  	[smem:$0x3F9D] =	sst s1;
	(tag) =	ssettag s2;
	_ =	strace s9  }
0x27: {  	s1 =	sld [smem:$0x3FAD]  }
0x28: {  	s2 =	sld [smem:$0x3FAE]  }
0x29: {  	s4 =	sld [smem:$0x3FB0]  }
0x2a: {  	p0 =	seq.s32 s5, $0x0;
	s5 =	sld [smem:$0x3FB1]  }
0x2b: {  	s6 =	sld [smem:$0x3FB2]  }
0x2c: {  	s7 =	sld [smem:$0x3FB3]  }
0x2d: {  	s3 =	simm.s32 $0x108;
	s8 =	sld [smem:$0x3FB4]  }
0x2e: {  	s3 =	simm.s32 @!p0 $0x1082;
	s9 =	sld [smem:$0x3FB5]  }
0x2f: {  	lr =	sadd.s32 s0, s3;
	s0 =	sld [smem:$0x3FAC]  }
0x30: {  	s3 =	sld [smem:$0x3FAF]  }
0x31: {  	[smem:$0x3FB8] =	sst s10  }
0x32: {  	s10 =	sld [smem:$0x3FB6];
	_ =	sdelay $0x3  }
0x33: {  	p0 =	seq.s32 s10, $0x1;
	s10 =	sld [smem:$0x3FB8];
	_ =	sdelay $0x3  }
0x34: {  	[smem:$0x3FB8] =	sst s10  }
0x35: {  	s10 =	sld [smem:$0x3FB7];
	_ =	sdelay $0x3  }
0x36: {  	p1 =	seq.s32 s10, $0x1;
	s10 =	sld [smem:$0x3FB8];
	_ =	sdelay $0x3  }
0x37: {  	[smem:$0x3FB8] =	sst s10  }
0x38: {  	s10 =	sld [smem:$0x3FB9]  }
0x39: {  	_ = 	snop;
	(pc) =	sbr.ind lr, $3  }
0x3a: {  	_ = 	snop  }
0x3b: {  	_ = 	snop  }
0x3c: {  	p2 =	seq.s32 s10, $0x1;
	s10 =	sld [smem:$0x3FB8]  }
0x3d: {  	_ =	shalt  }
0x3e: {  	_ =	shalt  }
0x3f: {  	_ =	shalt  }
0x40: {  	_ =	shalt  }
0x41: {  	_ =	shalt  }
0x42: {  	_ =	shalt  }
0x43: {  	_ =	shalt  }
0x44: {  	_ =	shalt  }
0x45: {  	_ =	shalt  }
0x46: {  	_ =	shalt  }
0x47: {  	_ =	shalt  }
0x48: {  	_ =	shalt  }
0x49: {  	_ =	shalt  }
0x4a: {  	_ =	shalt  }
0x4b: {  	_ =	shalt  }
0x4c: {  	_ =	shalt  }
0x4d: {  	_ =	shalt  }
0x4e: {  	_ =	shalt  }
0x4f: {  	_ =	shalt  }
0x50: {  	_ =	shalt  }
0x51: {  	_ =	shalt  }
0x52: {  	_ =	shalt  }
0x53: {  	_ =	shalt  }
0x54: {  	_ =	shalt  }
0x55: {  	_ =	shalt  }
0x56: {  	_ =	shalt  }
0x57: {  	_ =	shalt  }
0x58: {  	_ =	shalt  }
0x59: {  	_ =	shalt  }
0x5a: {  	_ =	shalt  }
0x5b: {  	_ =	shalt  }
0x5c: {  	_ =	shalt  }
0x5d: {  	_ =	shalt  }
0x5e: {  	_ =	shalt  }
0x5f: {  	_ =	shalt  }
0x60: {  	_ =	shalt  }
0x61: {  	_ =	shalt  }
0x62: {  	_ =	shalt  }
0x63: {  	_ =	shalt  }
0x64: {  	_ =	shalt  }
0x65: {  	_ =	shalt  }
0x66: {  	_ =	shalt  }
0x67: {  	_ =	shalt  }
0x68: {  	_ =	shalt  }
0x69: {  	_ =	shalt  }
0x6a: {  	_ =	shalt  }
0x6b: {  	_ =	shalt  }
0x6c: {  	_ =	shalt  }
0x6d: {  	_ =	shalt  }
0x6e: {  	_ =	shalt  }
0x6f: {  	_ =	shalt  }
0x70: {  	_ =	shalt  }
0x71: {  	_ =	shalt  }
0x72: {  	_ =	shalt  }
0x73: {  	_ =	shalt  }
0x74: {  	_ =	shalt  }
0x75: {  	_ =	shalt  }
0x76: {  	_ =	shalt  }
0x77: {  	_ =	shalt  }
0x78: {  	_ =	shalt  }
0x79: {  	_ =	shalt  }
0x7a: {  	_ =	shalt  }
0x7b: {  	_ =	shalt  }
0x7c: {  	_ =	shalt  }
0x7d: {  	_ =	shalt  }
0x7e: {  	_ =	shalt  }
0x7f: {  	_ =	shalt  }
0x80: {  	_ =	shalt  }
0x81: {  	_ =	shalt  }
0x82: {  	_ =	shalt  }
0x83: {  	_ =	shalt  }
0x84: {  	_ =	shalt  }
0x85: {  	_ =	shalt  }
0x86: {  	_ =	shalt  }
0x87: {  	_ =	shalt  }
.Lfunc_end0:
.L_simem_size_0:
called_computation_lowered:
.L_overlay_start_0:
0x88: {  	s2 =	sld [smem:$0x3FD9]  }
0x89: {  	s3 =	sld [smem:$0x3FFE];
	_ =	sdelay $0x1  }
0x8a: {  	s1 =	srdreg.scid  }
0x8b: {  	s0 =	sand.u32 $0x1, s1  }
0x8c: {  	s17 =	sshll.u32 s0, $0xA;
	s2 =	sadd.s32 s3, s2  }
0x8d: {  	s2 =	sadd.s32 s2, s17  }
0x8e: {  	[smem:$0x3FC4] =	sst s2  }
0x8f: {  	_ = 	snop  }
0x90: {  	s2 =	sld [smem:$0x3FC8]  }
0x91: {  	s18 =	sld [smem:$0x3FC7]  }
0x92: {  	s4 =	sld [smem:$0x3FC6]  }
0x93: {  	s5 =	sld [smem:$0x3FD0];
	(tm) =	ssettm $0x1  }
0x94: {  	s6 =	sld [smem:$0x3FFB];
	_ =	sdelay $0x3  }
0x95: {  	_ =	strace s6  }
0x96: {  	s6 =	sld [smem:$0x3FFC];
	_ =	sdelay $0x3  }
0x97: {  	_ =	strace s6  }
0x98: {  	s6 =	sld [smem:$0x3FFD];
	_ =	sdelay $0x3  }
0x99: {  	_ =	strace s6  }
0x9a: {  	_ =	strace $0x8FFFFFFF  }
0x9b: {  	s19 =	sld [smem:$0x3FDB];
	_ =	sdelay $0x1  }
0x9c: {  	s7 =	simm.s32 $_scs_section_size  }
0x9d: {  	s8 =	simm.s32 $_size__tile_overlayer_lowered;
	s9 =	simm.s32 $_tile_overlayer_lowered  }
0x9e: {  	s22 =	simm.s32 $0x1BFF;
	s21 =	sshll.u32 s9, $0x1;
	s6 =	sadd.s32 s7, s19  }
0x9f: {  	s10 =	simm.s32 $0x0;
	s20 =	sshll.u32 s8, $0x1;
	s8 =	sadd.s32 s21, s6  }
0xa0: {  	[timem:s10], [sflag:s22] =	dma.local [hbm:s8], s20  }
0xa1: {  	_ =	swait.ge [sflag:s22], s20  }
0xa2: {  	s7 =	ssub.s32 $0x0, s20;
	[sflag:s22] =	ssyncset.done $0x0  }
0xa3: {  	[sflag:s22] =	ssyncadd.s32 s7;
	_ =	sdelay $0x1  }
0xa4: {  	s23 =	simm.s32 $0x1B8B  }
0xa5: {  	_ =	swait.ge [sflag:s23], $0x1  }
0xa6: {  	[sflag:s23] =	ssyncset.done $0x0  }
0xa7: {  	s25 =	simm.s32 $0x1B8E;
	s24 =	sld [smem:$0x3FFE];
	[sflag:s23] =	ssyncadd.s32 $0xFFFFFFFF  }
0xa8: {  	s26 =	simm.s32 $execute0_lowered;
	[smem:$0x3FD2] =	sst s25  }
0xa9: {  	s8 =	sshll.u32 s26, $0x1;
	_ =	strace $0x80000046;
	[dreg:$0x1] =	wrdreg $0xFFFFFFFF  }
0xaa: {  	s28 =	simm.s32 $_size_execute0_lowered;
	s6 =	sadd.s32 s6, s8;
	[dreg:$0x0] =	wrdreg $0x0  }
0xab: {  	s8 =	sshll.u32 s28, $0x1;
	[dreg:$0x2] =	wrdreg s6  }
0xac: {  	[dreg:$0x3] =	wrdreg s8  }
0xad: {  	[dreg:$0x4] =	wrdreg $0xC0  }
0xae: {  	_ =	task [dreg:s10], $0x5FFFF  }
0xaf: {  	[dreg:$0x1] =	wrdreg $0xFFFFFFFF  }
0xb0: {  	[dreg:$0x0] =	wrdreg $0x60  }
0xb1: {  	[dreg:$0x2] =	wrdreg s24  }
0xb2: {  	[dreg:$0x3] =	wrdreg s2  }
0xb3: {  	[dreg:$0x4] =	wrdreg s18  }
0xb4: {  	[dreg:$0x5] =	wrdreg s4  }
0xb5: {  	[dreg:$0x6] =	wrdreg s5  }
0xb6: {  	[dreg:$0x7] =	wrdreg $0x9  }
0xb7: {  	_ =	task.clear_ibuf [dreg:s10], $0x8FFFF;
	_ =	strace $0x90000046  }
0xb8: {  	s29 =	simm.s32 $0x9;
	_ =	strace $0x80000048  }
0xb9: {  	_ =	swait.ge [sflag:s29], $0x1  }
0xba: {  	[sflag:s29] =	ssyncadd.s32 $0xFFFFFFFF  }
0xbb: {  	_ =	strace $0x90000048  }
0xbc: {  	_ =	sfence  }
0xbd: {  	s30 =	sld [smem:$0x0];
	_ =	sdelay $0x2  }
0xbe: {  	s31 =	sshll.u32 s1, $0xD;
	s1 =	sshrl.u32 s1, $0x2  }
0xbf: {  	s3 =	sand.u32 $0x4000, s31;
	s1 =	sadd.s32 s1, s30  }
0xc0: {  	s0 =	sor.u32 s3, s0;
	s1 =	sshll.u32 s1, $0x11  }
0xc1: {  	s0 =	sor.u32 s1, s0  }
0xc2: {  	s0 =	sadd.s32 $0x8F2B, s0  }
0xc3: {  	[sflag:s0] =	ssyncadd.remote.s32 $0x1  }
0xc4: {  	_ =	sfence.sel $0xFFFF  }
0xc5: {  	[dreg:$0x0] =	wrdreg $0xFFFFFFFF;
	(pc) =	sbr.abs _section_cstart, $3  }
0xc6: {  	[dreg:$0x1] =	wrdreg $0xFFFFFFFF  }
0xc7: {  	_ =	task.clear_ibuf [dreg:s10], $0x2FFFF;
	_ =	strace $0x9FFFFFFF  }
0xc8: {  	(tm) =	ssettm $0x7FFFFFFF  }
0xc9: {  	_ =	shalt  }
tec
execute0_lowered:
.L_overlay_start_1:
0x0: {  	(tag) =	ssettag $0x1  }
0x1: {  	s7 =	rddreg [dreg:$0x0]  }
0x2: {  	s1 =	rddreg [dreg:$0x1]  }
0x3: {  	s2 =	rddreg [dreg:$0x2]  }
0x4: {  	s3 =	srdreg.scid;
	s4 =	rddreg [dreg:$0x3]  }
0x5: {  	s0 =	stileid.u32;
	s5 =	rddreg [dreg:$0x4];
	s6 =	simm.s32 $0x0  }
0x6: {  	s11 =	simm.s32 $0x7;
	s12 =	simm.s32 $0xDC80;
	s13 =	simm.s32 $0x80  }
0x7: {  	s14 =	simm.s32 $0x4;
	s8 =	sand.u32 $0x1, s3;
	s30 =	sshll.u32 s0, $0x1  }
0x8: {  	s15 =	simm.s32 $0x5;
	s16 =	simm.s32 $0x0;
	s9 =	sor.u32 s8, s30  }
0x9: {  	[smem:$0x7FF] =	sst s6;
	s8 =	ssub.s32 $0x2, s8;
	s10 =	smul.u32 $0x380, s9  }
0xa: {  	s3 =	rddreg [dreg:$0x5];
	_ =	strace $0x80000047;
	s31 =	sshrl.u32 s8, $0x1  }
0xb: {  	s7 =	sadd.s32 s10, s7;
	s10 =	ssub.s32 s8, s31;
	s8 =	smul.u32 $0xC8000, s9  }
0xc: {  	s7 =	sadd.s32 $0x400, s7;
	s9 =	smax.u32 s10, $0x1;
	s10 =	simm.s32 $0xDC00  }
.LBB2_1:
0xd: {  	[tilespmem:s10], [sflag:$0x7] =	stream.linear.gather [hbm4b:s2+s6], $0x80, $0x38;
	[tilespmem:$0xDD00] =	vst v63  }
0xe: {  	_ =	swait.ge [sflag:s11], $0x80  }
0xf: {  	[sflag:s11] =	ssyncset.done $0x0  }
0x10: {  	[sflag:s11] =	ssyncadd.s32 $0xFFFFFF80  }
0x11: {  	[tilespmem:s12], [sflag:$0x7] =	stream.linear.gather [hbm4b:s4+s6], $0x80, $0x38;
	[tilespmem:$0xDD00] =	vst v63  }
0x12: {  	_ =	swait.ge [sflag:s11], $0x80  }
0x13: {  	[sflag:s11] =	ssyncset.done $0x0  }
0x14: {  	[sflag:s11] =	ssyncadd.s32 $0xFFFFFF80  }
0x15: {  	v63 =	vld [tilespmem:$0xDC00]  }
0x16: {  	v41 =	vld [tilespmem:$0xDC10]  }
0x17: {  	v0 =	vld [tilespmem:$0xDC20]  }
0x18: {  	v10 =	vld [tilespmem:$0xDC30]  }
0x19: {  	v1 =	vld [tilespmem:$0xDC40]  }
0x1a: {  	v4 =	vld [tilespmem:$0xDC50]  }
0x1b: {  	v3 =	vld [tilespmem:$0xDC60]  }
0x1c: {  	v2 =	vld [tilespmem:$0xDC70]  }
0x1d: {  	v7 =	vld [tilespmem:$0xDC80]  }
0x1e: {  	v52 =	vld [tilespmem:$0xDC90]  }
0x1f: {  	v55 =	vld [tilespmem:$0xDCA0]  }
0x20: {  	v51 =	vld [tilespmem:$0xDCB0]  }
0x21: {  	v54 =	vld [tilespmem:$0xDCC0]  }
0x22: {  	v6 =	vld [tilespmem:$0xDCD0]  }
0x23: {  	v62 =	vld [tilespmem:$0xDCE0]  }
0x24: {  	v5 =	vld [tilespmem:$0xDCF0];
	[tilespmem:s6], [sflag:$0x7] =	stream.linear.gather [hbm4b:s7+s6], $0x1900, $0x38  }
0x25: {  	_ =	swait.ge [sflag:s11], $0x1900  }
0x26: {  	[sflag:s11] =	ssyncset.done $0x0  }
0x27: {  	s17 =	simm.s32 $0x1C00;
	[sflag:s11] =	ssyncadd.s32 $0xFFFFE700  }
0x28: {  	[tilespmem:s17], [sflag:$0x1] =	stream.indirect.gather [hbm4b:s1+s13], $0x80, s6, s13, $0xb8;
	[tilespmem:$0xDD00] =	vst v63  }
0x29: {  	[tilespmem:$0x1FF10] =	vst v63  }
0x2a: {  	[tilespmem:$0x1FF20] =	vst v52  }
0x2b: {  	[tilespmem:$0x1FF30] =	vst v55  }
0x2c: {  	[tilespmem:$0x1FF40] =	vst v51  }
0x2d: {  	[tilespmem:$0x1FF50] =	vst v54  }
0x2e: {  	[tilespmem:$0x1FF60] =	vst v62  }
0x2f: {  	[tilespmem:$0x1FF70] =	vst v10  }
0x30: {  	[tilespmem:$0x1FF80] =	vst v0  }
0x31: {  	[tilespmem:$0x1FF90] =	vst v1  }
0x32: {  	[tilespmem:$0x1FFA0] =	vst v2  }
0x33: {  	[tilespmem:$0x1FFB0] =	vst v3  }
0x34: {  	[tilespmem:$0x1FFC0] =	vst v4  }
0x35: {  	[tilespmem:$0x1FFD0] =	vst v41  }
0x36: {  	[tilespmem:$0x1FFE0] =	vst v7  }
0x37: {  	s19 =	simm.s32 $0x0;
	[tilespmem:$0x1FFF0] =	vst v5  }
.LBB2_2:
0x38: {  	s20 =	smul.u32 $0xAB, s19;
	_ =	sdelay $0x1  }
0x39: {  	s18 =	sadd.s32 $0xAB, s20  }
0x3a: {  	s18 =	sshrl.u32 s18, $0x9  }
0x3b: {  	s18 =	sand.u32 $0x7F, s18  }
0x3c: {  	s21 =	smul.u32 $0x3, s18  }
0x3d: {  	s18 =	sadd.s32 $0x1, s19  }
0x3e: {  	s21 =	ssub.s32 s18, s21  }
0x3f: {  	p0 =	slt.u32 s19, $0x2;
	s20 =	sshrl.u32 s20, $0x9;
	s21 =	sand.u32 $0xFF, s21  }
0x40: {  	p1 =	seq.s32 @!p0 s19, $0x31;
	s20 =	sand.u32 $0x7F, s20;
	s22 =	sadd.s32 @!p0 $0x4, s21  }
0x41: {  	p1 =	por p0, !p1;
	s20 =	smul.u32 $0x3, s20;
	_ =	swait.ge @!p0 [sflag:s22], $0x4000  }
0x42: {  	s24 =	smulhi.u32 $0xAAAAAAAB, s19;
	s23 =	sshll.u32 @p1 s18, $0x7;
	[sflag:s22] =	ssyncset.done @!p0 $0x0  }
0x43: {  	s20 =	ssub.s32 s19, s20;
	[sflag:s22] =	ssyncadd.s32 @!p0 $0xFFFFC000;
	s22 =	sshll.u32 @p1 s21, $0xE  }
0x44: {  	s23 =	sand.u32 @p1 $0x3FFFFF80, s23;
	s21 =	sadd.s32 @p1 $0x1, s21;
	s22 =	sor.u32 @p1 $0x1C00, s22  }
0x45: {  	[tilespmem:s22], [sflag:s21] =	stream.indirect.gather @p1 [hbm4b:s1+s13], $0x80, s23, s13, $0xb8;
	[tilespmem:$0xDD00] =	vst v63  }
0x46: {  	s20 =	sand.u32 $0xFF, s20;
	s21 =	sshrl.u32 s24, $0x1  }
0x47: {  	s25 =	sadd.s32 $0x1, s20;
	s21 =	smul.u32 $0xFFFD0000, s21  }
0x48: {  	_ =	swait.ge [sflag:s25], $0x4000  }
0x49: {  	[sflag:s25] =	ssyncset.done $0x0;
	s21 =	sshra.s32 s21, $0x2  }
0x4a: {  	[sflag:s25] =	ssyncadd.s32 $0xFFFFC000;
	s21 =	sadd.s32 s21, s17  }
0x4b: {  	v22 =	vld [tilespmem:s21+$0x80]  }
0x4c: {  	v21 =	vld [tilespmem:s21+$0x90];
	_ =	sdelay $0x1  }
0x4d: {  	v16 =	vld [tilespmem:s21+$0xA0];
	_ =	sdelay $0x1  }
0x4e: {  	v17 =	vld [tilespmem:s21+$0xB0]  }
0x4f: {  	v18 =	vmul.f32 v22, v22;
	v20 =	vmul.f32 v21, v21  }
0x50: {  	v19 =	vld [tilespmem:s21+$0xC0];
	v23 =	vadd.f32 v21, v22  }
0x51: {  	v24 =	vmul.f32 v16, v16;
	v20 =	vadd.f32 v20, v18  }
0x52: {  	v23 =	vadd.f32 v16, v23;
	v18 =	vld [tilespmem:s21+$0xD0]  }
0x53: {  	v25 =	vld [tilespmem:s21+$0x10];
	v27 =	vmul.f32 v17, v17;
	v24 =	vadd.f32 v24, v20  }
0x54: {  	v23 =	vadd.f32 v17, v23;
	v20 =	vld [tilespmem:s21+$0xE0]  }
0x55: {  	v26 =	vld [tilespmem:s21+$0x0];
	v24 =	vadd.f32 v27, v24;
	v27 =	vmul.f32 v19, v19  }
0x56: {  	v28 =	vadd.f32 v19, v23;
	v23 =	vld [tilespmem:s21+$0xF0]  }
0x57: {  	v29 =	vmul.f32 v18, v18;
	v24 =	vadd.f32 v27, v24;
	v27 =	vld [tilespmem:s21+$0x20]  }
0x58: {  	v30 =	vadd.f32 v18, v28  }
0x59: {  	v28 =	vld [tilespmem:s21+$0x30];
	v24 =	vadd.f32 v29, v24;
	v29 =	vmul.f32 v20, v20  }
0x5a: {  	v31 =	vadd.f32 v25, v26;
	v33 =	vmul.f32 v26, v26;
	v30 =	vadd.f32 v20, v30  }
0x5b: {  	v34 =	vmul.f32 v25, v25;
	v32 =	vmul.f32 v23, v23;
	v24 =	vadd.f32 v29, v24;
	v29 =	vld [tilespmem:s21+$0x40]  }
0x5c: {  	v35 =	vadd.f32 v23, v30;
	v31 =	vadd.f32 v27, v31  }
0x5d: {  	v33 =	vadd.f32 v34, v33;
	v30 =	vld [tilespmem:s21+$0x50];
	v44 =	vmul.f32 v27, v27;
	v24 =	vadd.f32 v32, v24  }
0x5e: {  	(xrf2) =	vadd.scan.msk.f32 $0xffff, v35;
	v45 =	vadd.f32 v28, v31  }
0x5f: {  	v46 =	vmul.f32 v28, v28;
	v31 =	vld [tilespmem:s21+$0x60];
	v32 =	vadd.f32 v44, v33;
	(xrf2) =	vadd.scan.msk.f32 $0xffff, v24  }
0x60: {  	v34 =	vadd.f32 v29, v45  }
0x61: {  	v24 =	vld [tilespmem:s21+$0x70];
	v32 =	vadd.f32 v46, v32;
	v47 =	vmul.f32 v29, v29  }
0x62: {  	s22 =	sadd.s32 $0x100, s21;
	v34 =	vadd.f32 v30, v34  }
0x63: {  	v15 =	vmov v7;
	v7 =	vld [tilespmem:s22+$0x80];
	v48 =	vmul.f32 v30, v30;
	v32 =	vadd.f32 v47, v32  }
0x64: {  	v49 =	vadd.f32 v31, v34  }
0x65: {  	v50 =	vmul.f32 v31, v31;
	v32 =	vadd.f32 v48, v32  }
0x66: {  	v33 =	vadd.f32 v24, v49  }
0x67: {  	v51 =	vmul.f32 v24, v24;
	v32 =	vadd.f32 v50, v32  }
0x68: {  	[tilespmem:$0x1FE90] =	vst v7;
	v52, _, _ =	vpop (xrf2);
	(xrf2) =	vadd.scan.msk.f32 $0xffff, v33  }
0x69: {  	v8 =	vld [tilespmem:s22+$0x90];
	(v2sf) =	vpush v52, $0xF;
	v32 =	vadd.f32 v51, v32;
	v53, _, _ =	vpop (xrf2)  }
0x6a: {  	(v2sf) =	vpush v53, $0xF  }
0x6b: {  	(xrf2) =	vadd.scan.msk.f32 $0xffff, v32;
	_ =	sdelay $0x2  }
0x6c: {  	[tilespmem:$0x1FEA0] =	vst v8  }
0x6d: {  	v9 =	vld [tilespmem:s22+$0xA0]  }
0x6e: {  	v11 =	vld [tilespmem:s22+$0xB0];
	_ =	sdelay $0x1  }
0x6f: {  	v54, _, _ =	vpop (xrf2)  }
0x70: {  	v57 =	vmul.f32 v8, v8;
	v58 =	vadd.f32 v8, v7;
	v8 =	vld [tilespmem:s22+$0xC0];
	(v2sf) =	vpush v54, $0xF  }
0x71: {  	v56 =	vmul.f32 v7, v7;
	[tilespmem:$0x1FEB0] =	vst v9  }
0x72: {  	v60 =	vld [tilespmem:s22+$0xD0];
	[tilespmem:$0x1FEC0] =	vst v11;
	v55, _, _ =	vpop (xrf2)  }
0x73: {  	v32 =	vadd.f32 v57, v56;
	v59 =	vmul.f32 v9, v9;
	v62 =	vld [tilespmem:s22+$0xE0];
	(v2sf) =	vpush v55, $0xF;
	_ =	sdelay $0x1  }
0x74: {  	v34 =	vadd.f32 v9, v58;
	v61 =	vmul.f32 v11, v11;
	v32 =	vadd.f32 v59, v32;
	[tilespmem:$0x1FED0] =	vst v8;
	s26 =	spop (v2sf)  }
0x75: {  	v7 =	vld [tilespmem:s22+$0xF0];
	s23 =	smul.f32 $7.812500000e-03, s26;
	s24 =	spop (v2sf)  }
0x76: {  	v12 =	vmul.f32 v8, v8;
	v34 =	vadd.f32 v11, v34;
	v32 =	vadd.f32 v61, v32;
	[tilespmem:$0x1FEE0] =	vst v60;
	s24 =	smul.f32 $7.812500000e-03, s24  }
0x77: {  	v46 =	vld [tilespmem:s22+$0x10];
	[tilespmem:$0x1FEF0] =	vst v62;
	s25 =	smul.f32 s23, s23  }
0x78: {  	v34 =	vadd.f32 v8, v34;
	v33 =	vadd.f32 v12, v32;
	v13 =	vmul.f32 v60, v60;
	v45 =	vld [tilespmem:s22+$0x0]  }
0x79: {  	s24 =	ssub.f32 s24, s25  }
0x7a: {  	v34 =	vadd.f32 v60, v34;
	v37 =	vmul.f32 v62, v62;
	v35 =	vadd.f32 v13, v33;
	[tilespmem:$0x1FE70] =	vst v7  }
0x7b: {  	v44 =	vld [tilespmem:s22+$0x20];
	s24 =	sadd.f32 $9.999999970e-07, s24  }
0x7c: {  	v14 =	vadd.f32 v62, v34;
	v40 =	vmul.f32 v7, v7;
	v35 =	vadd.f32 v37, v35  }
0x7d: {  	v51 =	vmul.f32 v46, v46;
	v49 =	vmul.f32 v45, v45;
	v36 =	vmov s24  }
0x7e: {  	v43 =	vld [tilespmem:s22+$0x30];
	v38 =	vshrl.u32 v36, $0x1;
	v39 =	vmul.f32 $5.000000000e-01, v36;
	v36 =	vadd.f32 v7, v14;
	s30 =	spop (v2sf)  }
0x7f: {  	v37 =	vadd.f32 v40, v35;
	v50 =	vadd.f32 v46, v45;
	v38 =	vsub.s32 $0x5F3759DF, v38;
	s24 =	smul.f32 $7.812500000e-03, s30  }
0x80: {  	v42 =	vld [tilespmem:s22+$0x40];
	v52 =	vmul.f32 v44, v44;
	v49 =	vadd.f32 v51, v49;
	v48 =	vmul.f32 v38, v39;
	(xrf2) =	vadd.scan.msk.f32 $0xffff, v36  }
0x81: {  	v50 =	vadd.f32 v44, v50;
	s26 =	spop (v2sf);
	s31 =	smul.f32 s24, s24  }
0x82: {  	v57 =	vadd.f32 v52, v49;
	v49 =	vld [tilespmem:s22+$0x60];
	(xrf2) =	vadd.scan.msk.f32 $0xffff, v37;
	v48 =	vmul.f32 v38, v48;
	s26 =	smul.f32 $7.812500000e-03, s26  }
0x83: {  	v58 =	vmul.f32 v43, v43;
	v56 =	vadd.f32 v43, v50;
	v50 =	vld [tilespmem:s22+$0x70]  }
0x84: {  	v47 =	vsub.f32 $1.500000000e+00, v48;
	s25 =	ssub.f32 s26, s31;
	v48 =	vld [tilespmem:s22+$0x50]  }
0x85: {  	v53 =	vmul.f32 v42, v42;
	v51 =	vadd.f32 v58, v57  }
0x86: {  	v37 =	vmul.f32 v38, v47;
	s25 =	sadd.f32 $9.999999970e-07, s25  }
0x87: {  	v51 =	vadd.f32 v53, v51;
	v9 =	vmul.f32 v49, v49  }
0x88: {  	v38 =	vadd.f32 v42, v56;
	v59 =	vmul.f32 v37, v39;
	v60 =	vmov s25  }
0x89: {  	v13 =	vmul.f32 v50, v50;
	v54 =	vshrl.u32 v60, $0x1;
	v57 =	vmul.f32 v48, v48  }
0x8a: {  	v55 =	vmul.f32 $5.000000000e-01, v60;
	v38 =	vadd.f32 v48, v38;
	v52 =	vmul.f32 v59, v37;
	v56, _, _ =	vpop (xrf2)  }
0x8b: {  	v54 =	vsub.s32 $0x5F3759DF, v54;
	(v2sf) =	vpush v56, $0xF;
	v51 =	vadd.f32 v57, v51  }
0x8c: {  	v61 =	vmul.f32 v54, v55;
	v62, _, _ =	vpop (xrf2);
	v38 =	vadd.f32 v49, v38;
	v52 =	vsub.f32 $1.500000000e+00, v52  }
0x8d: {  	v36 =	vmov s24;
	(v2sf) =	vpush v62, $0xF;
	v51 =	vadd.f32 v9, v51  }
0x8e: {  	v53 =	vmul.f32 v54, v61;
	v11 =	vadd.f32 v50, v38;
	v52 =	vmul.f32 v52, v37  }
0x8f: {  	v7 =	vsub.f32 v28, v36;
	v33 =	vadd.f32 v13, v51  }
0x90: {  	v12 =	vsub.f32 $1.500000000e+00, v53;
	(xrf2) =	vadd.scan.msk.f32 $0xffff, v11;
	v39 =	vmul.f32 v52, v39  }
0x91: {  	[tilespmem:$0x1FE50] =	vst v7;
	v7 =	vsub.f32 v29, v36;
	(xrf2) =	vadd.scan.msk.f32 $0xffff, v33  }
0x92: {  	v28 =	vmov s23;
	v14 =	vmul.f32 v54, v12;
	v34 =	vmul.f32 v39, v52  }
0x93: {  	v23 =	vsub.f32 v23, v28;
	[tilespmem:$0x1FE60] =	vst v7;
	v7 =	vsub.f32 v30, v36  }
0x94: {  	v22 =	vsub.f32 v22, v28;
	v35 =	vmul.f32 v14, v55;
	v32 =	vsub.f32 $1.500000000e+00, v34  }
0x95: {  	[tilespmem:$0x1FE80] =	vst v7;
	v7 =	vsub.f32 v31, v36;
	v53 =	vsub.f32 v25, v36  }
0x96: {  	v54 =	vsub.f32 v27, v36;
	v25 =	vmul.f32 v35, v14;
	v27 =	vmul.f32 v32, v52  }
0x97: {  	v21 =	vsub.f32 v21, v28;
	v18 =	vsub.f32 v18, v28  }
0x98: {  	s23 =	sadd.s32 $0x100, s22;
	v60 =	vsub.f32 v17, v28;
	[tilespmem:$0x1FF00] =	vst v7;
	v25 =	vsub.f32 $1.500000000e+00, v25;
	v29 =	vmul.f32 v27, v2  }
0x99: {  	v8 =	vld [tilespmem:s23+$0x90];
	v33 =	vsub.f32 v16, v28;
	v30 =	vmul.f32 v27, v63;
	v31 =	vmul.f32 v27, v41  }
0x9a: {  	v16 =	vsub.f32 v24, v36;
	v34 =	vld [tilespmem:s23+$0x80];
	v25 =	vmul.f32 v25, v14;
	v52 =	vmul.f32 v29, v23;
	v23, _, _ =	vpop (xrf2)  }
0x9b: {  	v58 =	vmul.f32 v27, v1;
	v61 =	vmul.f32 v27, v4;
	s26 =	spop (v2sf);
	(v2sf) =	vpush v23, $0xF;
	v59, _, _ =	vpop (xrf2)  }
0x9c: {  	v24 =	vld [tilespmem:s23+$0x0];
	v55 =	vmul.f32 v25, v55;
	v23 =	vmul.f32 v27, v10;
	s24 =	smul.f32 $7.812500000e-03, s26;
	s30 =	spop (v2sf);
	(v2sf) =	vpush v59, $0xF  }
0x9d: {  	v62 =	vsub.f32 v19, v28;
	v35 =	vld [tilespmem:s23+$0xA0];
	v29 =	vmul.f32 v27, v0;
	v27 =	vmul.f32 v27, v3;
	s25 =	smul.f32 $7.812500000e-03, s30  }
0x9e: {  	v20 =	vsub.f32 v20, v28;
	v55 =	vmul.f32 v55, v25;
	s31 =	smul.f32 s24, s24;
	v60 =	vmul.f32 v23, v60;
	v23 =	vld [tilespmem:s23+$0x10]  }
0x9f: {  	v37 =	vld [tilespmem:$0x1FF10];
	v38 =	vadd.f32 v8, v34;
	v63 =	vmul.f32 v30, v22;
	v62 =	vmul.f32 v58, v62  }
0xa0: {  	v58 =	vmul.f32 v61, v18;
	v57 =	vmul.f32 v27, v20;
	v22 =	vsub.f32 $1.500000000e+00, v55;
	s25 =	ssub.f32 s25, s31  }
0xa1: {  	v40 =	vsub.f32 v26, v36;
	v7 =	vmovc v10;
	v20 =	vmul.f32 v34, v34;
	v27 =	vmul.f32 v8, v8;
	v55 =	vld [tilespmem:s23+$0xB0]  }
0xa2: {  	v10 =	vld [tilespmem:s23+$0xC0];
	v30 =	vadd.f32 v35, v38;
	v59 =	vmul.f32 v31, v21;
	[tilespmem:$0x1FE40] =	vst v8;
	v56 =	vmul.f32 v22, v25;
	s25 =	sadd.f32 $9.999999970e-07, s25  }
0xa3: {  	v11 =	vmovc v1;
	v47 =	vmul.f32 v29, v33;
	v1 =	vadd.f32 v27, v20;
	v25 =	vld [tilespmem:s23+$0x20];
	v32 =	vadd.f32 v23, v24  }
0xa4: {  	v14 =	vmovc v41;
	v39 =	vmul.f32 v56, v37;
	v28 =	vmov s25;
	v41 =	vmul.f32 v56, v41  }
0xa5: {  	v9 =	vmovc v0;
	v0 =	vld [tilespmem:s23+$0xD0];
	v51 =	vshrl.u32 v28, $0x1;
	v61 =	vmul.f32 $5.000000000e-01, v28;
	v28 =	vmul.f32 v35, v35  }
0xa6: {  	v27 =	vld [tilespmem:s23+$0x30];
	v20 =	vmovc v35;
	v30 =	vadd.f32 v55, v30;
	v26 =	vmul.f32 v55, v55;
	v35 =	vmul.f32 v24, v24  }
0xa7: {  	v22 =	vmovc v55;
	v55 =	vmul.f32 v23, v23;
	v31 =	vsub.s32 $0x5F3759DF, v51;
	v29 =	vadd.f32 v28, v1  }
0xa8: {  	v17 =	vmovc v34;
	v34 =	vmul.f32 v31, v61;
	v51 =	vadd.f32 v10, v30;
	v28 =	vld [tilespmem:s23+$0x40];
	v38 =	vadd.f32 v25, v32  }
0xa9: {  	v12 =	vmovc v3;
	v1 =	vld [tilespmem:s23+$0xE0];
	v30 =	vmul.f32 v10, v10;
	v3 =	vmul.f32 v25, v25;
	v33 =	vadd.f32 v55, v35  }
0xaa: {  	v13 =	vmovc v2;
	v55 =	vmul.f32 v39, v40;
	v34 =	vmul.f32 v31, v34;
	v2 =	vadd.f32 v26, v29;
	v29 =	vld [tilespmem:s23+$0x50];
	s30 =	spop (v2sf)  }
0xab: {  	v18 =	vmovc v10;
	v40 =	vmul.f32 v27, v27;
	v10 =	vadd.f32 v0, v51;
	v26 =	vld [tilespmem:s23+$0xF0];
	v32 =	vadd.f32 v3, v33;
	s25 =	smul.f32 $7.812500000e-03, s30;
	s28 =	spop (v2sf)  }
0xac: {  	v51 =	vmul.f32 v0, v0;
	v38 =	vadd.f32 v27, v38;
	v34 =	vsub.f32 $1.500000000e+00, v34;
	s28 =	smul.f32 $7.812500000e-03, s28  }
0xad: {  	v19 =	vmovc v0;
	v36 =	vadd.f32 v30, v2;
	v30 =	vld [tilespmem:s23+$0x60];
	v32 =	vadd.f32 v40, v32;
	v0 =	vmul.f32 v28, v28;
	s31 =	smul.f32 s25, s25  }
0xae: {  	v35 =	vadd.f32 v1, v10;
	v21 =	vmovc v1;
	v1 =	vmul.f32 v1, v1;
	v38 =	vadd.f32 v28, v38  }
0xaf: {  	v34 =	vmul.f32 v31, v34;
	v31 =	vld [tilespmem:s23+$0x70];
	v36 =	vadd.f32 v51, v36;
	v32 =	vadd.f32 v0, v32;
	s26 =	ssub.f32 s28, s31  }
0xb0: {  	v3 =	vmul.f32 v29, v29;
	v10 =	vmul.f32 v26, v26;
	v38 =	vadd.f32 v29, v38  }
0xb1: {  	v35 =	vadd.f32 v26, v35;
	v2 =	vmul.f32 v34, v61;
	v36 =	vadd.f32 v1, v36;
	s26 =	sadd.f32 $9.999999970e-07, s26  }
0xb2: {  	v32 =	vadd.f32 v3, v32;
	v51 =	vmul.f32 v30, v30;
	v0 =	vadd.f32 v30, v38  }
0xb3: {  	v39 =	vmul.f32 v2, v34;
	v36 =	vadd.f32 v10, v36;
	v2 =	vmov s26  }
0xb4: {  	(xrf2) =	vadd.scan.msk.f32 $0xffff, v35;
	v1 =	vmul.f32 v31, v31;
	v3 =	vshrl.u32 v2, $0x1;
	v40 =	vmul.f32 $5.000000000e-01, v2  }
0xb5: {  	v32 =	vadd.f32 v51, v32;
	(xrf2) =	vadd.scan.msk.f32 $0xffff, v36;
	v35 =	vsub.f32 $1.500000000e+00, v39;
	v36 =	vsub.s32 $0x5F3759DF, v3  }
0xb6: {  	v37 =	vadd.f32 v31, v0;
	v51 =	vmul.f32 v41, v53;
	v10 =	vmul.f32 v36, v40  }
0xb7: {  	v53 =	vadd.f32 v63, v15;
	v32 =	vadd.f32 v1, v32;
	v63 =	vmul.f32 v35, v34  }
0xb8: {  	(xrf2) =	vadd.scan.msk.f32 $0xffff, v37;
	v10 =	vmul.f32 v36, v10  }
0xb9: {  	(xrf2) =	vadd.scan.msk.f32 $0xffff, v32;
	v0 =	vmul.f32 v63, v61;
	v61 =	vld [tilespmem:$0x1FE50]  }
0xba: {  	v3 =	vsub.f32 $1.500000000e+00, v10;
	v10 =	vmul.f32 v56, v7  }
0xbb: {  	v52 =	vadd.f32 v52, v5;
	v33 =	vmov s25  }
0xbc: {  	v38 =	vsub.f32 v45, v33;
	v35 =	vsub.f32 v43, v33  }
0xbd: {  	v34 =	vsub.f32 v42, v33;
	v32 =	vsub.f32 v49, v33;
	v49 =	vld [tilespmem:$0x1FE60];
	v43 =	vmul.f32 v0, v63  }
0xbe: {  	v42 =	vmul.f32 v36, v3;
	v36 =	vsub.f32 v48, v33;
	v48 =	vmul.f32 v10, v61;
	v10, _, _ =	vpop (xrf2)  }
0xbf: {  	v41 =	vmul.f32 v56, v9;
	v43 =	vsub.f32 $1.500000000e+00, v43;
	(v2sf) =	vpush v10, $0xF;
	v10 =	vld [tilespmem:$0x1FE70]  }
0xc0: {  	v39 =	vsub.f32 v46, v33;
	v37 =	vsub.f32 v44, v33;
	v44 =	vmul.f32 v56, v11  }
0xc1: {  	v1 =	vld [tilespmem:$0x1FF20];
	v54 =	vmul.f32 v41, v54;
	v33 =	vsub.f32 v50, v33;
	v43 =	vmul.f32 v43, v63;
	v50, _, _ =	vpop (xrf2)  }
0xc2: {  	v2 =	vld [tilespmem:$0x1FF30];
	v49 =	vmul.f32 v44, v49;
	v61 =	vmul.f32 v42, v40;
	(v2sf) =	vpush v50, $0xF;
	v0, _, _ =	vpop (xrf2)  }
0xc3: {  	v63 =	vld [tilespmem:$0x1FE80];
	v44 =	vmul.f32 v43, v13;
	v50 =	vmov s24;
	(v2sf) =	vpush v0, $0xF;
	v3, _, _ =	vpop (xrf2)  }
0xc4: {  	v45 =	vmul.f32 v61, v42;
	(v2sf) =	vpush v3, $0xF;
	v3 =	vld [tilespmem:$0x1FF40];
	[tilespmem:s21+$0xF0] =	vst v52;
	v41 =	vsub.f32 v10, v50  }
0xc5: {  	v10 =	vld [tilespmem:$0x1FE90]  }
0xc6: {  	v45 =	vsub.f32 $1.500000000e+00, v45;
	v44 =	vmul.f32 v44, v41;
	v41 =	vld [tilespmem:$0x1FEA0]  }
0xc7: {  	v59 =	vadd.f32 v59, v1;
	[tilespmem:s21+$0x80] =	vst v53  }
0xc8: {  	v53 =	vmul.f32 v45, v42;
	v45 =	vld [tilespmem:$0x1FEB0]  }
0xc9: {  	v46 =	vmul.f32 v56, v4;
	v47 =	vadd.f32 v47, v2;
	v61 =	vld [tilespmem:$0x1FEC0];
	[tilespmem:s21+$0x90] =	vst v59  }
0xca: {  	v52 =	vsub.f32 v10, v50;
	v10 =	vld [tilespmem:$0x1FED0]  }
0xcb: {  	v63 =	vmul.f32 v46, v63;
	v46 =	vadd.f32 v60, v3;
	v60 =	vsub.f32 v41, v50;
	v41 =	vld [tilespmem:$0x1FEE0];
	[tilespmem:s21+$0xA0] =	vst v47  }
0xcc: {  	v8 =	vmov v4;
	v4 =	vld [tilespmem:$0x1FF50];
	_ =	sdelay $0x2  }
0xcd: {  	v42 =	vsub.f32 v45, v50;
	v47 =	vld [tilespmem:$0x1FEF0];
	[tilespmem:s21+$0xB0] =	vst v46  }
0xce: {  	v45 =	vmul.f32 v56, v12;
	v56 =	vmul.f32 v56, v13;
	v13 =	vadd.f32 v58, v6;
	v58 =	vld [tilespmem:$0x1FF00]  }
0xcf: {  	v59 =	vsub.f32 v10, v50;
	v10 =	vadd.f32 v62, v4;
	v62 =	vld [tilespmem:$0x1FF10];
	_ =	sdelay $0x3  }
0xd0: {  	v40 =	vmul.f32 v53, v40;
	[tilespmem:s21+$0xC0] =	vst v10  }
0xd1: {  	v58 =	vmul.f32 v45, v58;
	v45 =	vmul.f32 v43, v62;
	v62 =	vld [tilespmem:$0x1FF60]  }
0xd2: {  	v11 =	vmul.f32 v43, v11;
	v48 =	vadd.f32 v48, v3;
	v44 =	vadd.f32 v44, v5  }
0xd3: {  	v40 =	vmul.f32 v40, v53;
	v61 =	vsub.f32 v61, v50;
	v41 =	vsub.f32 v41, v50  }
0xd4: {  	v56 =	vmul.f32 v56, v16;
	v47 =	vsub.f32 v47, v50;
	v49 =	vadd.f32 v49, v4;
	[tilespmem:s21+$0xD0] =	vst v13  }
0xd5: {  	v10 =	vmul.f32 v43, v14;
	v14 =	vmul.f32 v43, v9;
	v13 =	vadd.f32 v55, v15;
	[tilespmem:s22+$0xF0] =	vst v44  }
0xd6: {  	v9 =	vmul.f32 v43, v7;
	[tilespmem:s21+$0x30] =	vst v48;
	v52 =	vmul.f32 v45, v52;
	v0 =	vadd.f32 v57, v62  }
0xd7: {  	[tilespmem:s21+$0x0] =	vst v13;
	v45 =	vmul.f32 v14, v42;
	v13 =	vadd.f32 v54, v2;
	v14 =	vmul.f32 v43, v8  }
0xd8: {  	v43 =	vmul.f32 v43, v12;
	[tilespmem:s21+$0xE0] =	vst v0;
	v0 =	vmul.f32 v10, v60;
	v10 =	vadd.f32 v51, v1  }
0xd9: {  	v46 =	vmul.f32 v9, v61;
	v44 =	vmul.f32 v11, v59;
	v59 =	vadd.f32 v63, v6;
	[tilespmem:s21+$0x20] =	vst v13  }
0xda: {  	s30 =	sshll.u32 s20, $0xE;
	v42 =	vmul.f32 v14, v41;
	v57 =	vsub.f32 $1.500000000e+00, v40;
	v40 =	vmul.f32 v43, v47;
	[tilespmem:s21+$0x10] =	vst v10  }
0xdb: {  	s25 =	simm.s32 $0x4;
	s26 =	sadd.s32 $0x100, s23;
	s31 =	spop (v2sf);
	v54 =	vmovc v4;
	v50 =	vadd.f32 v58, v62;
	v47 =	vadd.f32 v56, v5;
	v51 =	vmov v3;
	v63 =	vld [tilespmem:$0x1FF10];
	[tilespmem:s21+$0x40] =	vst v49  }
0xdc: {  	s24 =	sor.u32 $0x1C00, s30;
	s28 =	smul.f32 $7.812500000e-03, s31;
	s29 =	spop (v2sf);
	v41 =	vmul.f32 v57, v53;
	v48 =	vadd.f32 v0, v1;
	[tilespmem:s21+$0x50] =	vst v59;
	v49 =	vadd.f32 v52, v15  }
.LBB2_3:
0xdd: {  	v43 =	vld [tilespmem:s26+$0x80]  }
0xde: {  	v0 =	vld [tilespmem:$0x1FF30]  }
0xdf: {  	v15 =	vld [tilespmem:$0x1FFD0]  }
0xe0: {  	v11 =	vld [tilespmem:$0x1FF80]  }
0xe1: {  	v9 =	vld [tilespmem:$0x1FF70]  }
0xe2: {  	v14 =	vld [tilespmem:$0x1FF90]  }
0xe3: {  	v8 =	vld [tilespmem:$0x1FFC0]  }
0xe4: {  	s29 =	smul.f32 $7.812500000e-03, s29;
	v60 =	vld [tilespmem:s26+$0x0]  }
0xe5: {  	v58 =	vadd.f32 v44, v54;
	[tilespmem:s21+$0x60] =	vst v50;
	s30 =	smul.f32 s28, s28  }
0xe6: {  	v2 =	vmul.f32 v41, v63;
	[tilespmem:s21+$0x70] =	vst v47;
	s21 =	smov.u32 s22;
	v55 =	vadd.f32 v45, v0;
	v45 =	vld [tilespmem:s26+$0x90];
	v57 =	vmul.f32 v41, v15  }
0xe7: {  	s29 =	ssub.f32 s29, s30;
	s31 =	spop (v2sf);
	v56 =	vadd.f32 v46, v51;
	v3 =	vmul.f32 v41, v11;
	v51 =	vmul.f32 v41, v9;
	[tilespmem:s21+$0x80] =	vst v49  }
0xe8: {  	v59 =	vadd.f32 v40, v62;
	s30 =	smul.f32 $7.812500000e-03, s31;
	v53 =	vmul.f32 v41, v14;
	v52 =	vmul.f32 v41, v8;
	v47 =	vld [tilespmem:s26+$0xA0];
	[tilespmem:s21+$0x90] =	vst v48  }
0xe9: {  	v54 =	vld [tilespmem:s26+$0x10];
	v49 =	vadd.f32 v42, v6;
	s29 =	sadd.f32 $9.999999970e-07, s29;
	v1 =	vmul.f32 v43, v43;
	v63 =	vmul.f32 v60, v60;
	[tilespmem:s21+$0xA0] =	vst v55  }
0xea: {  	v55 =	vmul.f32 v2, v38;
	v42 =	vmul.f32 v57, v39;
	v57 =	vmov s30;
	v46 =	vld [tilespmem:s26+$0xB0];
	[tilespmem:s21+$0xB0] =	vst v56  }
0xeb: {  	v44 =	vmul.f32 v3, v37;
	v3 =	vmov s29;
	v56 =	vld [tilespmem:s26+$0x20];
	[tilespmem:s21+$0xC0] =	vst v58;
	v2 =	vmul.f32 v45, v45  }
0xec: {  	v61 =	vshrl.u32 v3, $0x1;
	v62 =	vmul.f32 $5.000000000e-01, v3;
	v48 =	vld [tilespmem:s26+$0xC0];
	[tilespmem:s21+$0xD0] =	vst v49;
	v0 =	vadd.f32 v45, v43  }
0xed: {  	[tilespmem:s21+$0xE0] =	vst v59;
	v59 =	vsub.s32 $0x5F3759DF, v61;
	v61 =	vld [tilespmem:s26+$0x40];
	v10 =	vmul.f32 v47, v47;
	v37 =	vadd.f32 v2, v1  }
0xee: {  	v3 =	vmul.f32 v54, v54;
	v49 =	vld [tilespmem:s26+$0xD0];
	v38 =	vadd.f32 v47, v0;
	v0 =	vmul.f32 v59, v62  }
0xef: {  	v58 =	vld [tilespmem:s26+$0x30];
	v1 =	vadd.f32 v54, v60;
	v37 =	vadd.f32 v10, v37;
	v10 =	vmul.f32 v46, v46  }
0xf0: {  	v50 =	vld [tilespmem:s26+$0xE0];
	v3 =	vadd.f32 v3, v63;
	v38 =	vadd.f32 v46, v38;
	v0 =	vmul.f32 v59, v0  }
0xf1: {  	v1 =	vadd.f32 v56, v1;
	v37 =	vadd.f32 v10, v37;
	v10 =	vmul.f32 v48, v48  }
0xf2: {  	v16 =	vmovc v6;
	v4 =	vld [tilespmem:s26+$0xF0];
	v6 =	vmul.f32 v56, v56;
	v38 =	vadd.f32 v48, v38;
	v0 =	vsub.f32 $1.500000000e+00, v0  }
0xf3: {  	v12 =	vld [tilespmem:$0x1FFB0];
	v39 =	vmul.f32 v61, v61;
	v37 =	vadd.f32 v10, v37;
	v10 =	vmul.f32 v49, v49  }
0xf4: {  	v2 =	vld [tilespmem:s26+$0x50];
	v3 =	vadd.f32 v6, v3;
	v38 =	vadd.f32 v49, v38;
	v0 =	vmul.f32 v59, v0  }
0xf5: {  	v13 =	vld [tilespmem:$0x1FFA0];
	s31 =	smul.f32 s30, s30;
	s30 =	spop (v2sf);
	v63 =	vmul.f32 v50, v50;
	v1 =	vadd.f32 v58, v1;
	v6 =	vadd.f32 v10, v37  }
0xf6: {  	v5 =	vld [tilespmem:s26+$0x60];
	s30 =	smul.f32 $7.812500000e-03, s30;
	v38 =	vadd.f32 v50, v38;
	v10 =	vmul.f32 v58, v58;
	v59 =	vmul.f32 v0, v62  }
0xf7: {  	v1 =	vadd.f32 v61, v1;
	v37 =	vmul.f32 v4, v4;
	v6 =	vadd.f32 v63, v6  }
0xf8: {  	v7 =	vld [tilespmem:s26+$0x70];
	s29 =	ssub.f32 s30, s31;
	v38 =	vadd.f32 v4, v38;
	v3 =	vadd.f32 v10, v3;
	v63 =	vmul.f32 v59, v0  }
0xf9: {  	v40 =	vmul.f32 v41, v12;
	v1 =	vadd.f32 v2, v1;
	v6 =	vadd.f32 v37, v6  }
0xfa: {  	s29 =	sadd.f32 $9.999999970e-07, s29;
	v10 =	vmul.f32 v2, v2;
	(xrf2) =	vadd.scan.msk.f32 $0xffff, v38;
	v3 =	vadd.f32 v39, v3;
	v38 =	vsub.f32 $1.500000000e+00, v63  }
0xfb: {  	v41 =	vmul.f32 v41, v13;
	v1 =	vadd.f32 v5, v1;
	v37 =	vmul.f32 v5, v5  }
0xfc: {  	(xrf2) =	vadd.scan.msk.f32 $0xffff, v6;
	v6 =	vmov s29;
	v3 =	vadd.f32 v10, v3;
	v0 =	vmul.f32 v38, v0  }
0xfd: {  	v63 =	vmul.f32 v7, v7;
	v1 =	vadd.f32 v7, v1;
	v10 =	vshrl.u32 v6, $0x1  }
0xfe: {  	v6 =	vmul.f32 $5.000000000e-01, v6;
	v3 =	vadd.f32 v37, v3;
	v62 =	vmul.f32 v0, v62  }
0xff: {  	v38 =	vsub.f32 v24, v57;
	v24 =	vmovc v60;
	v60 =	vsub.f32 v27, v57;
	v59 =	vsub.s32 $0x5F3759DF, v10  }
0x100: {  	(xrf2) =	vadd.scan.msk.f32 $0xffff, v1;
	v1 =	vmul.f32 v59, v6;
	v10 =	vadd.f32 v63, v3;
	v27 =	vmul.f32 v62, v0  }
0x101: {  	v51 =	vmul.f32 v51, v35;
	v53 =	vmul.f32 v53, v34;
	v39 =	vsub.f32 v23, v57;
	v63 =	vld [tilespmem:$0x1FF10]  }
0x102: {  	v62 =	vsub.f32 v29, v57;
	v1 =	vmul.f32 v59, v1;
	(xrf2) =	vadd.scan.msk.f32 $0xffff, v10;
	v29 =	vsub.f32 $1.500000000e+00, v27;
	v10 =	vld [tilespmem:$0x1FFE0]  }
0x103: {  	v23 =	vmovc v54;
	v54 =	vsub.f32 v28, v57;
	v37 =	vsub.f32 v25, v57;
	v25 =	vmov v56  }
0x104: {  	v56 =	vsub.f32 v30, v57;
	v1 =	vsub.f32 $1.500000000e+00, v1;
	v3, _, _ =	vpop (xrf2);
	v0 =	vmul.f32 v29, v0  }
0x105: {  	v36 =	vmul.f32 v52, v36;
	v28 =	vmovc v61;
	v57 =	vsub.f32 v31, v57;
	(v2sf) =	vpush v3, $0xF  }
0x106: {  	v61 =	vmovc v45;
	v27 =	vmovc v58;
	v1 =	vmul.f32 v59, v1;
	v3 =	vmov s28;
	v59 =	vld [tilespmem:$0x1FE40];
	v58 =	vmul.f32 v0, v13  }
0x107: {  	[tilespmem:$0x1FE40] =	vst v61;
	v31 =	vsub.f32 v26, v3;
	v34 =	vmul.f32 v0, v63;
	v30 =	vadd.f32 v55, v10;
	v55, _, _ =	vpop (xrf2)  }
0x108: {  	v26 =	vmovc v4;
	v52 =	vsub.f32 v17, v3;
	v17 =	vmovc v43;
	v43 =	vmul.f32 v0, v15;
	(v2sf) =	vpush v55, $0xF  }
0x109: {  	v45 =	vmul.f32 v0, v11;
	v13 =	vsub.f32 v20, v3;
	v20 =	vmovc v47;
	v4 =	vmul.f32 v1, v6  }
0x10a: {  	v47 =	vmul.f32 v0, v8;
	v61 =	vsub.f32 v18, v3;
	v18 =	vmovc v48;
	v48 =	vmul.f32 v34, v52  }
0x10b: {  	[tilespmem:s21+$0x0] =	vst v30;
	v4 =	vmul.f32 v4, v1;
	v55 =	vsub.f32 v59, v3;
	v59 =	vmul.f32 v0, v9;
	v9 =	vld [tilespmem:$0x1FFF0];
	v30, _, _ =	vpop (xrf2)  }
0x10c: {  	v52 =	vld [tilespmem:$0x1FF20];
	(v2sf) =	vpush v30, $0xF;
	v30 =	vmovc v5;
	v5 =	vmul.f32 v0, v14;
	v14 =	vsub.f32 v22, v3  }
0x10d: {  	v29 =	vmovc v2;
	v2 =	vmul.f32 v58, v31;
	v45 =	vmul.f32 v45, v13;
	v34 =	vmovc v54;
	v54 =	vld [tilespmem:$0x1FF50];
	v4 =	vsub.f32 $1.500000000e+00, v4  }
0x10e: {  	v0 =	vmul.f32 v0, v12;
	v22 =	vmov v46;
	v46 =	vmul.f32 v59, v14;
	v14 =	vld [tilespmem:$0x1FF40]  }
0x10f: {  	v31 =	vmov v7;
	v7, _, _ =	vpop (xrf2);
	v43 =	vmul.f32 v43, v55;
	v55 =	vld [tilespmem:$0x1FF30];
	v1 =	vmul.f32 v4, v1  }
0x110: {  	v35 =	vmovc v60;
	(v2sf) =	vpush v7, $0xF;
	v4 =	vmul.f32 v40, v32;
	v2 =	vadd.f32 v2, v9  }
0x111: {  	s25 =	sadd.s32 $0x2, s25;
	s22 =	smov.u32 s23;
	v12 =	vadd.f32 v42, v52;
	v59 =	vadd.f32 v36, v16;
	v36 =	vmovc v62;
	v62 =	vld [tilespmem:$0x1FF60];
	v6 =	vmul.f32 v1, v6  }
0x112: {  	p0 =	slt.u32 s25, $0x7E;
	v7 =	vmul.f32 v41, v33;
	v58 =	vadd.f32 v53, v54;
	[tilespmem:s22+$0xF0] =	vst v2;
	v2 =	vsub.f32 v19, v3  }
.Ltmp0:
0x113: {  	[tilespmem:s21+$0x10] =	vst v12;
	v3 =	vsub.f32 v21, v3;
	v8 =	vmul.f32 v6, v1;
	v32 =	vadd.f32 v51, v14;
	(pc) =	sbr.rel @p0 .LBB2_3-.Ltmp0, $4  }
0x114: {  	v33 =	vmovc v57;
	[tilespmem:s21+$0x50] =	vst v59;
	v19 =	vmov v49;
	v13 =	vadd.f32 v44, v55;
	v49 =	vadd.f32 v48, v10  }
0x115: {  	v21 =	vmovc v50;
	v44 =	vmul.f32 v5, v61;
	[tilespmem:s21+$0x40] =	vst v58;
	v48 =	vadd.f32 v43, v52;
	v5 =	vsub.f32 $1.500000000e+00, v8  }
0x116: {  	s23 =	smov.u32 s26;
	v42 =	vmul.f32 v47, v2;
	[tilespmem:s21+$0x20] =	vst v13;
	v40 =	vmul.f32 v0, v3;
	v50 =	vadd.f32 v4, v62;
	s28 =	spop (v2sf)  }
0x117: {  	s26 =	sadd.s32 $0x100, s26;
	v51 =	vld [tilespmem:$0x1FF40];
	v6 =	vmovc v16;
	v47 =	vadd.f32 v7, v9;
	[tilespmem:s21+$0x30] =	vst v32;
	s28 =	smul.f32 $7.812500000e-03, s28;
	v41 =	vmul.f32 v5, v1;
	v32 =	vmov v56;
	s29 =	spop (v2sf)  }
0x118: {  	s25 =	smul.f32 $7.812500000e-03, s29  }
0x119: {  	s26 =	smul.f32 s28, s28;
	_ =	sdelay $0x1  }
0x11a: {  	s25 =	ssub.f32 s25, s26;
	_ =	sdelay $0x1  }
0x11b: {  	s25 =	sadd.f32 $9.999999970e-07, s25;
	_ =	sdelay $0x1  }
0x11c: {  	v0 =	vmov s25  }
0x11d: {  	v1 =	vshrl.u32 v0, $0x1;
	v0 =	vmul.f32 $5.000000000e-01, v0  }
0x11e: {  	v1 =	vsub.s32 $0x5F3759DF, v1  }
0x11f: {  	v2 =	vmul.f32 v1, v0;
	_ =	sdelay $0x1  }
0x120: {  	v2 =	vmul.f32 v1, v2;
	_ =	sdelay $0x1  }
0x121: {  	s29 =	spop (v2sf);
	v2 =	vsub.f32 $1.500000000e+00, v2  }
0x122: {  	s25 =	smul.f32 $7.812500000e-03, s29;
	s31 =	spop (v2sf)  }
0x123: {  	v8 =	vld [tilespmem:$0x1FFD0];
	s29 =	smul.f32 $7.812500000e-03, s31;
	v1 =	vmul.f32 v1, v2  }
0x124: {  	s30 =	smul.f32 s25, s25  }
0x125: {  	v9 =	vld [tilespmem:$0x1FF80];
	v2 =	vmul.f32 v1, v0  }
0x126: {  	v11 =	vld [tilespmem:$0x1FF90];
	s26 =	ssub.f32 s29, s30  }
0x127: {  	v43 =	vadd.f32 v46, v51;
	v46 =	vld [tilespmem:$0x1FF70];
	[tilespmem:s21+$0x60] =	vst v50;
	v2 =	vmul.f32 v2, v1  }
0x128: {  	v61 =	vadd.f32 v45, v55;
	v5 =	vmul.f32 v41, v8;
	v12 =	vld [tilespmem:$0x1FFC0];
	[tilespmem:s21+$0x70] =	vst v47;
	s26 =	sadd.f32 $9.999999970e-07, s26  }
0x129: {  	v56 =	vadd.f32 v44, v54;
	v13 =	vld [tilespmem:$0x1FFB0];
	[tilespmem:s22+$0x80] =	vst v49;
	v2 =	vsub.f32 $1.500000000e+00, v2  }
0x12a: {  	v7 =	vmul.f32 v41, v9;
	v5 =	vmul.f32 v5, v39;
	v14 =	vld [tilespmem:$0x1FFA0];
	[tilespmem:s22+$0x90] =	vst v48;
	v3 =	vmov s26  }
0x12b: {  	[tilespmem:s22+$0xA0] =	vst v61;
	v4 =	vshrl.u32 v3, $0x1;
	v1 =	vmul.f32 v2, v1;
	v2 =	vmul.f32 $5.000000000e-01, v3  }
0x12c: {  	v7 =	vmul.f32 v7, v37;
	[tilespmem:s22+$0xB0] =	vst v43;
	v53 =	vmul.f32 v41, v46;
	v4 =	vsub.s32 $0x5F3759DF, v4  }
0x12d: {  	v57 =	vadd.f32 v42, v16;
	v15 =	vld [tilespmem:$0x1FFE0];
	v0 =	vmul.f32 v1, v0;
	v6 =	vmul.f32 v4, v2  }
0x12e: {  	v40 =	vadd.f32 v40, v62;
	v58 =	vmul.f32 v41, v12;
	v3 =	vmul.f32 v41, v63  }
0x12f: {  	v5 =	vadd.f32 v5, v52;
	v0 =	vmul.f32 v0, v1;
	v6 =	vmul.f32 v4, v6  }
0x130: {  	v7 =	vadd.f32 v7, v55;
	v59 =	vmul.f32 v41, v13;
	v3 =	vmul.f32 v3, v38  }
0x131: {  	v35 =	vmul.f32 v53, v35;
	v0 =	vsub.f32 $1.500000000e+00, v0;
	v6 =	vsub.f32 $1.500000000e+00, v6  }
0x132: {  	v36 =	vmul.f32 v58, v36;
	v59 =	vmul.f32 v59, v32;
	v3 =	vadd.f32 v3, v15  }
0x133: {  	[tilespmem:s22+$0xC0] =	vst v56;
	v0 =	vmul.f32 v0, v1;
	v1 =	vmov s25;
	v4 =	vmul.f32 v4, v6  }
0x134: {  	[tilespmem:s22+$0xD0] =	vst v57;
	v6 =	vmul.f32 v41, v11;
	v24 =	vsub.f32 v24, v1;
	v23 =	vsub.f32 v23, v1  }
0x135: {  	v48 =	vld [tilespmem:$0x1FE40];
	v41 =	vmul.f32 v41, v14;
	v25 =	vsub.f32 v25, v1;
	v27 =	vsub.f32 v27, v1  }
0x136: {  	v28 =	vsub.f32 v28, v1;
	v29 =	vsub.f32 v29, v1;
	v60 =	vmul.f32 v4, v2  }
0x137: {  	v30 =	vsub.f32 v30, v1;
	v1 =	vsub.f32 v31, v1;
	v6 =	vmul.f32 v6, v34  }
0x138: {  	v31 =	vmov s28;
	v61 =	vmul.f32 v0, v14;
	v43 =	vmul.f32 v60, v4  }
0x139: {  	v26 =	vsub.f32 v26, v31;
	v45 =	vmul.f32 v0, v63;
	v10 =	vsub.f32 v17, v31  }
0x13a: {  	v47 =	vmul.f32 v0, v8;
	v17 =	vsub.f32 v48, v31;
	v38 =	vsub.f32 $1.500000000e+00, v43  }
0x13b: {  	[tilespmem:s22+$0xE0] =	vst v40;
	v49 =	vmul.f32 v0, v9;
	v50 =	vsub.f32 v20, v31;
	v53 =	vmul.f32 v0, v11  }
0x13c: {  	v56 =	vmul.f32 v0, v12;
	v57 =	vsub.f32 v22, v31;
	v43 =	vld [tilespmem:$0x1FFF0];
	[tilespmem:s22+$0x0] =	vst v3;
	v4 =	vmul.f32 v38, v4  }
0x13d: {  	v58 =	vsub.f32 v18, v31;
	v26 =	vmul.f32 v61, v26;
	v6 =	vadd.f32 v6, v54;
	[tilespmem:s22+$0x10] =	vst v5  }
0x13e: {  	v10 =	vmul.f32 v45, v10;
	v5 =	vadd.f32 v35, v51;
	[tilespmem:s22+$0x20] =	vst v7;
	v2 =	vmul.f32 v4, v2  }
0x13f: {  	v60 =	vmul.f32 v49, v50;
	v3 =	vmul.f32 v0, v46;
	[tilespmem:s22+$0x40] =	vst v6;
	v6 =	vadd.f32 v59, v62  }
0x140: {  	v7 =	vmul.f32 v41, v33;
	v10 =	vadd.f32 v10, v15;
	[tilespmem:s22+$0x30] =	vst v5;
	v2 =	vmul.f32 v2, v4  }
0x141: {  	v61 =	vadd.f32 v60, v55;
	v5 =	vadd.f32 v36, v16;
	[tilespmem:s22+$0x60] =	vst v6;
	v3 =	vmul.f32 v3, v57  }
0x142: {  	v0 =	vmul.f32 v0, v13;
	v6 =	vsub.f32 v21, v31;
	[tilespmem:s23+$0x80] =	vst v10;
	v2 =	vsub.f32 $1.500000000e+00, v2  }
0x143: {  	v17 =	vmul.f32 v47, v17;
	[tilespmem:s22+$0x50] =	vst v5;
	v5 =	vsub.f32 v19, v31;
	v3 =	vadd.f32 v3, v51  }
0x144: {  	[tilespmem:s23+$0xA0] =	vst v61;
	v0 =	vmul.f32 v0, v6;
	v7 =	vadd.f32 v7, v43;
	v2 =	vmul.f32 v2, v4  }
0x145: {  	v5 =	vmul.f32 v56, v5;
	[tilespmem:s23+$0xB0] =	vst v3;
	v4 =	vadd.f32 v17, v52  }
0x146: {  	v0 =	vadd.f32 v0, v62;
	[tilespmem:s22+$0x70] =	vst v7;
	v7 =	vmul.f32 v53, v58;
	v10 =	vmul.f32 v2, v63  }
0x147: {  	v5 =	vadd.f32 v5, v16;
	[tilespmem:s23+$0x90] =	vst v4;
	v4 =	vmul.f32 v2, v8  }
0x148: {  	[tilespmem:s23+$0xE0] =	vst v0;
	v6 =	vadd.f32 v7, v54;
	v3 =	vmul.f32 v2, v46;
	v10 =	vmul.f32 v10, v24  }
0x149: {  	v26 =	vadd.f32 v26, v43;
	[tilespmem:s23+$0xD0] =	vst v5;
	v7 =	vmul.f32 v2, v9;
	v4 =	vmul.f32 v4, v23  }
0x14a: {  	[tilespmem:s23+$0xC0] =	vst v6;
	v6 =	vmul.f32 v2, v11;
	v0 =	vmul.f32 v3, v27;
	v5 =	vadd.f32 v10, v15  }
0x14b: {  	[tilespmem:s23+$0xF0] =	vst v26;
	v7 =	vmul.f32 v7, v25;
	v10 =	vmul.f32 v2, v12;
	v3 =	vadd.f32 v4, v52  }
0x14c: {  	v6 =	vmul.f32 v6, v28;
	v4 =	vmul.f32 v2, v13;
	v0 =	vadd.f32 v0, v51;
	[tilespmem:s23+$0x0] =	vst v5  }
0x14d: {  	v2 =	vmul.f32 v2, v14;
	v5 =	vadd.f32 v7, v55;
	v7 =	vmul.f32 v10, v29;
	[tilespmem:s23+$0x10] =	vst v3  }
0x14e: {  	v3 =	vmul.f32 v4, v30;
	v4 =	vadd.f32 v6, v54;
	[tilespmem:s23+$0x30] =	vst v0  }
0x14f: {  	v1 =	vmul.f32 v2, v1;
	[tilespmem:s23+$0x20] =	vst v5;
	v0 =	vadd.f32 v7, v16  }
0x150: {  	s19 =	sshll.u32 s19, $0xE;
	p0 =	sne.s32 s18, $0x32;
	[tilespmem:s23+$0x40] =	vst v4;
	v2 =	vadd.f32 v3, v62  }
.Ltmp1:
0x151: {  	s19 =	sadd.s32 s8, s19;
	v1 =	vadd.f32 v1, v43;
	[tilespmem:s23+$0x50] =	vst v0;
	(pc) =	sbr.rel @p0 .LBB2_2-.Ltmp1, $4  }
0x152: {  	s19 =	sshrl.u32 s19, $0x3;
	[tilespmem:s23+$0x60] =	vst v2  }
0x153: {  	s20 =	sadd.s32 $0x4, s20;
	s19 =	sadd.s32 s5, s19;
	[tilespmem:s23+$0x70] =	vst v1  }
0x154: {  	v41 =	vmovc v8;
	v6 =	vmovc v16;
	v10 =	vmov v46;
	v4 =	vmov v12;
	v3 =	vmov v13;
	[hbm4b:s19+s6] =	stream.linear.scatter [tilespmem:s24], [sflag:s20], $0x4000, $0x38;
	[tilespmem:$0xDD00] =	vst v63  }
0x155: {  	s17 =	sadd.s32 $0x4000, s17;
	v7 =	vmovc v15;
	v5 =	vmovc v43;
	s19 =	smov.u32 s18;
	v0 =	vmov v9;
	v1 =	vmov v11;
	v2 =	vmov v14  }
0x156: {  	s16 =	sadd.s32 $0x1, s16  }
0x157: {  	_ =	swait.ge [sflag:s14], $0x4000;
	p0 =	sne.s32 s16, s9  }
.Ltmp2:
0x158: {  	[sflag:s14] =	ssyncset.done $0x0;
	(pc) =	sbr.rel @p0 .LBB2_1-.Ltmp2, $4  }
0x159: {  	[sflag:s14] =	ssyncadd.s32 $0xFFFFC000  }
0x15a: {  	_ =	swait.ge [sflag:s15], $0x4000  }
0x15b: {  	[sflag:s15] =	ssyncset.done $0x0  }
0x15c: {  	[sflag:s15] =	ssyncadd.s32 $0xFFFFC000  }
0x15d: {  	_ =	sfence.sel $0x180000  }
0x15e: {  	[bflag:$0x0] =	sbarrier.arrive $0xFFFF  }
0x15f: {  	p0 =	sne.s32 s0, $0x0;
	_ =	strace $0x90000047  }
0x160: {  	s0 =	sadd.s32 @!p0 $0x100000, s3;
	[bflag:$0x2] =	sbarrier.arrive $0xFFFF  }
0x161: {  	[sflag:s0] =	ssyncadd.tile.s32 @!p0 $0x1;
	_ =	shalt  }
.Lfunc_end2:
_tile_overlayer_lowered:
.L_overlay_start_2:
0x162: {  	(tag) =	ssettag $0x2  }
0x163: {  	s0 =	rddreg [dreg:$0x0];
	s2 =	stileid.u32  }
0x164: {  	s1 =	rddreg [dreg:$0x1];
	p0 =	sne.s32 s2, $0x0  }
0x165: {  	s3 =	rddreg [dreg:$0x2];
	[bflag:$0x3] =	sbarrier.arrive $0xFFFF;
	s2 =	simm.s32 @!p0 $0x1C07  }
0x166: {  	[timem:s3], [sflag:s2] =	dma.local @!p0 [hbm:s0], s1  }
0x167: {  	s0 =	simm.s32 @!p0 $0x7  }
0x168: {  	_ =	swait.ge @!p0 [sflag:s0], s1  }
0x169: {  	s1 =	ssub.s32 @!p0 $0x0, s1;
	[sflag:s0] =	ssyncset.done @!p0 $0x0  }
0x16a: {  	[sflag:s0] =	ssyncadd.s32 @!p0 s1  }
0x16b: {  	[bflag:$0x3] =	sbarrier.arrive $0xFFFF  }
0x16c: {  	_ =	shalt  }

</sc_bundles>
